<compile_context>
chip_gen: v7x
topology: tpu7x:2x2x1
jax: 0.10.2.dev20260603
libtpu: 0.0.44.dev20260713+nightly
codegen_flags: <defaults>
</compile_context>

<pallas_src>
import functools

import jax
import jax.numpy as jnp
from jax import lax
from jax.experimental import pallas as pl
from jax.experimental.pallas import tpu as pltpu
from jax.experimental.pallas import tpu_sc as plsc

N = 10000
E = 320000
D = 128
H = 128
C = 40
G = 128

NC = 2
NS = 16
NW = NC * NS
EPW = E // NW
K = 125
VB = 16
NV = EPW // VB
NITER = -(-EPW // K)
EPAD = NITER * K
PADK = EPAD - EPW
RPT = 624
TAIL = N - NS * RPT

RB = 1000
GRID = N // RB

_f32 = jnp.float32




def _slab_copy(src_hbm, dst_sh, s):
    off = pl.multiple_of(s * RPT, 8)
    pltpu.sync_copy(src_hbm.at[pl.ds(off, RPT)], dst_sh.at[pl.ds(off, RPT)])

    @pl.when(s == NS - 1)
    def _():
        pltpu.sync_copy(src_hbm.at[pl.ds(NS * RPT, TAIL)],
                        dst_sh.at[pl.ds(NS * RPT, TAIL)])


def _slab_out(src_sh, out_hbm, c, s):
    off = pl.multiple_of(s * RPT, 8)
    pltpu.sync_copy(src_sh.at[pl.ds(off, RPT)], out_hbm.at[c, pl.ds(off, RPT)])

    @pl.when(s == NS - 1)
    def _():
        pltpu.sync_copy(src_sh.at[pl.ds(NS * RPT, TAIL)],
                        out_hbm.at[c, pl.ds(NS * RPT, TAIL)])


@functools.cache
def _sc_kernels():
    mesh = plsc.VectorSubcoreMesh(core_axis_name="c", subcore_axis_name="s",
                                  num_cores=NC, num_subcores=NS)

    @functools.partial(
        pl.kernel,
        out_type=jax.ShapeDtypeStruct((NW, N), jnp.int32),
        mesh=mesh,
        compiler_params=pltpu.CompilerParams(needs_layout_passes=False),
        scratch_types=[
            pltpu.VMEM((NV, VB), jnp.int32),
            pltpu.VMEM((N,), jnp.int32),
        ],
    )
    def _deg_sc(col_hbm, out_hbm, col_v, hist_v):
        c = lax.axis_index("c")
        s = lax.axis_index("s")
        wid = c * NS + s
        pltpu.sync_copy(col_hbm.at[wid], col_v)

        def zbody(j, _):
            hist_v[pl.ds(pl.multiple_of(j * VB, VB), VB)] = jnp.zeros(
                (VB,), jnp.int32)
            return 0

        lax.fori_loop(0, N // VB, zbody, 0)

        def body(j, _):
            xv = col_v[j]
            cnt, last = plsc.scan_count(xv)
            plsc.addupdate_scatter(hist_v, [xv], cnt, mask=last)
            return 0

        lax.fori_loop(0, NV, body, 0)
        pltpu.sync_copy(hist_v, out_hbm.at[wid])

    @functools.partial(
        pl.kernel,
        out_type=jax.ShapeDtypeStruct((NC, N, H), _f32),
        mesh=mesh,
        scratch_types=[
            pltpu.VMEM((NITER, K), jnp.int32),
            pltpu.VMEM((NITER, K), jnp.int32),
            pltpu.VMEM((K, H), _f32),
            pltpu.VMEM_SHARED((N, H), _f32),
        ],
    )
    def _agg_sc(row_hbm, col_hbm, y_hbm, zeros_hbm, out_hbm,
                row_v, col_v, buf, acc_sh):
        c = lax.axis_index("c")
        s = lax.axis_index("s")
        wid = c * NS + s
        pltpu.sync_copy(row_hbm.at[wid], row_v)
        pltpu.sync_copy(col_hbm.at[wid], col_v)
        _slab_copy(zeros_hbm, acc_sh, s)
        plsc.subcore_barrier()

        def body(j, _):
            pltpu.sync_copy(y_hbm.at[row_v.at[j]], buf)
            pltpu.sync_copy(buf, acc_sh.at[col_v.at[j]], add=True)
            return 0

        lax.fori_loop(0, NITER, body, 0)
        plsc.subcore_barrier()
        _slab_out(acc_sh, out_hbm, c, s)

    return _deg_sc, _agg_sc



def _dinv_block(degp):
    deg = lax.dot_general(degp.astype(_f32), jnp.ones((NW, 1), _f32),
                          (((0,), (0,)), ((), ())),
                          preferred_element_type=_f32) + 1.0
    return lax.rsqrt(deg)


def _mm_body(x_ref, w_ref, y_ref):
    y_ref[...] = jnp.dot(x_ref[...], w_ref[...], preferred_element_type=_f32)


_mm = pl.pallas_call(
    _mm_body,
    grid=(GRID,),
    in_specs=[
        pl.BlockSpec((RB, D), lambda i: (i, 0)),
        pl.BlockSpec((D, H), lambda i: (0, 0)),
    ],
    out_specs=pl.BlockSpec((RB, H), lambda i: (i, 0)),
    out_shape=jax.ShapeDtypeStruct((N, H), _f32),
)


def _scale_body(xw_ref, degp_ref, y_ref):
    y_ref[...] = xw_ref[...] * _dinv_block(degp_ref[0])


_scale = pl.pallas_call(
    _scale_body,
    grid=(GRID,),
    in_specs=[
        pl.BlockSpec((RB, H), lambda i: (i, 0)),
        pl.BlockSpec((1, NW, RB), lambda i: (i, 0, 0)),
    ],
    out_specs=pl.BlockSpec((RB, H), lambda i: (i, 0)),
    out_shape=jax.ShapeDtypeStruct((N, H), _f32),
)


def _fuse_body(zp_ref, y_ref, degp_ref, b_ref, w_ref, o_ref):
    dinv = _dinv_block(degp_ref[0])
    z = zp_ref[0] + zp_ref[1] + y_ref[...]
    h = jnp.maximum(z * dinv + b_ref[...], 0.0)
    o_ref[...] = jnp.dot(h, w_ref[...], preferred_element_type=_f32) * dinv


_fuse = pl.pallas_call(
    _fuse_body,
    grid=(GRID,),
    in_specs=[
        pl.BlockSpec((NC, RB, H), lambda i: (0, i, 0)),
        pl.BlockSpec((RB, H), lambda i: (i, 0)),
        pl.BlockSpec((1, NW, RB), lambda i: (i, 0, 0)),
        pl.BlockSpec((1, H), lambda i: (0, 0)),
        pl.BlockSpec((H, H), lambda i: (0, 0)),
    ],
    out_specs=pl.BlockSpec((RB, H), lambda i: (i, 0)),
    out_shape=jax.ShapeDtypeStruct((N, H), _f32),
)


def _pool_body(zp_ref, y_ref, degp_ref, b_ref, batch_ref, wlin_ref, blin_ref,
               o_ref, pooled_acc, cnt_acc):
    i = pl.program_id(0)

    @pl.when(i == 0)
    def _():
        pooled_acc[...] = jnp.zeros((G, H), _f32)
        cnt_acc[...] = jnp.zeros((G, H), _f32)

    dinv = _dinv_block(degp_ref[0])
    z = zp_ref[0] + zp_ref[1] + y_ref[...]
    h = jnp.maximum(z * dinv + b_ref[...], 0.0)

    g_iota = lax.broadcasted_iota(jnp.int32, (RB, G), 1)
    onehot = (batch_ref[...] == g_iota).astype(_f32)
    dn = (((0,), (0,)), ((), ()))
    pooled_acc[...] += lax.dot_general(onehot, h, dn,
                                       preferred_element_type=_f32)
    cnt_acc[...] += lax.dot_general(onehot, jnp.ones((RB, H), _f32), dn,
                                    preferred_element_type=_f32)

    @pl.when(i == GRID - 1)
    def _():
        pooled = pooled_acc[...] / jnp.maximum(cnt_acc[...], 1.0)
        o_ref[...] = jnp.dot(pooled, wlin_ref[...],
                             preferred_element_type=_f32) + blin_ref[...]


_pool = pl.pallas_call(
    _pool_body,
    grid=(GRID,),
    in_specs=[
        pl.BlockSpec((NC, RB, H), lambda i: (0, i, 0)),
        pl.BlockSpec((RB, H), lambda i: (i, 0)),
        pl.BlockSpec((1, NW, RB), lambda i: (i, 0, 0)),
        pl.BlockSpec((1, H), lambda i: (0, 0)),
        pl.BlockSpec((RB, 1), lambda i: (i, 0)),
        pl.BlockSpec((H, 128), lambda i: (0, 0)),
        pl.BlockSpec((1, 128), lambda i: (0, 0)),
    ],
    out_specs=pl.BlockSpec((G, 128), lambda i: (0, 0)),
    out_shape=jax.ShapeDtypeStruct((G, 128), _f32),
    scratch_shapes=[
        pltpu.VMEM((G, H), _f32),
        pltpu.VMEM((G, H), _f32),
    ],
)



def kernel(x, edge_index, batch, W1, b1, W2, b2, Wlin, blin):
    row2 = edge_index[0].astype(jnp.int32).reshape(NW, EPW)
    col2 = edge_index[1].astype(jnp.int32).reshape(NW, EPW)
    if PADK:
        row2 = jnp.pad(row2, ((0, 0), (0, PADK)), constant_values=N)
        pad_dst = jnp.broadcast_to(jnp.arange(PADK, dtype=jnp.int32),
                                   (NW, PADK))
        col2 = jnp.concatenate([col2, pad_dst], axis=1)
    row = row2.reshape(NW, NITER, K)
    col = col2.reshape(NW, NITER, K)

    zerosH = jnp.zeros((N, H), _f32)

    _deg_sc, _agg_sc = _sc_kernels()
    xw = _mm(x, W1)
    degp = _deg_sc(col2.reshape(NW, NV, VB))
    degp = degp.reshape(NW, GRID, RB).transpose(1, 0, 2)
    y1 = _scale(xw, degp)
    z1 = _agg_sc(row, col, jnp.pad(y1, ((0, 8), (0, 0))) if PADK else y1,
                 zerosH)
    y2 = _fuse(z1, y1, degp, b1.reshape(1, H), W2)
    z2 = _agg_sc(row, col, jnp.pad(y2, ((0, 8), (0, 0))) if PADK else y2,
                 zerosH)

    wlin_pad = jnp.pad(Wlin, ((0, 0), (0, 128 - C)))
    blin_pad = jnp.pad(blin, (0, 128 - C)).reshape(1, 128)
    out = _pool(z2, y2, degp, b2.reshape(1, H),
                batch.astype(jnp.int32).reshape(N, 1), wlin_pad, blin_pad)
    return out[:, :C]

# --- scband reference (transcript-rebuilt; emitter-appended) ---
"""Pipeline reference for scband-gcngraph-14525579395558 (READ-ONLY COPY).

The authoritative reference and input builder live on the scoring server;
editing this copy changes nothing except your own understanding.
"""

import jax, jax.numpy as jnp
import numpy as np

N = 10000
E = 320000
D = 128
H = 128
C = 40
G = 128


def gcn_conv(x, edge_index, W, b, num_nodes):
    # x' = D^-1/2 (A + I) D^-1/2 (x W) + b   (PyG GCNConv semantics)
    x = x @ W
    row = edge_index[0]
    col = edge_index[1]
    si = jnp.arange(num_nodes, dtype=row.dtype)
    row = jnp.concatenate([row, si])
    col = jnp.concatenate([col, si])
    ones = jnp.ones(row.shape[0], dtype=x.dtype)
    deg = jax.ops.segment_sum(ones, col, num_segments=num_nodes)
    deg_inv_sqrt = jnp.where(deg > 0, deg ** -0.5, 0.0)
    norm = deg_inv_sqrt[row] * deg_inv_sqrt[col]
    msgs = x[row] * norm[:, None]
    out = jax.ops.segment_sum(msgs, col, num_segments=num_nodes)
    return out + b


def global_mean_pool(x, batch, num_graphs):
    sums = jax.ops.segment_sum(x, batch, num_segments=num_graphs)
    counts = jax.ops.segment_sum(jnp.ones((x.shape[0],), dtype=x.dtype), batch, num_segments=num_graphs)
    counts = jnp.maximum(counts, 1.0)
    return sums / counts[:, None]


def setup_inputs(seed: int = 0) -> dict:
    key = jax.random.key(seed)
    ks = jax.random.split(key, 10)
    x = jax.random.normal(ks[0], (N, D), dtype=jnp.float32)
    edge_index = jax.random.randint(ks[1], (2, E), 0, N)
    batch = jnp.sort(jax.random.randint(ks[2], (N,), 0, G))
    W1 = jax.random.normal(ks[3], (D, H), dtype=jnp.float32) * 0.05
    b1 = jnp.zeros((H,), dtype=jnp.float32)
    W2 = jax.random.normal(ks[4], (H, H), dtype=jnp.float32) * 0.05
    b2 = jnp.zeros((H,), dtype=jnp.float32)
    Wlin = jax.random.normal(ks[5], (H, C), dtype=jnp.float32) * 0.05
    blin = jnp.zeros((C,), dtype=jnp.float32)
    return {"x": x, "edge_index": edge_index, "batch": batch, "W1": W1, "b1": b1, "W2": W2, "b2": b2, "Wlin": Wlin, "blin": blin}


def reference(x, edge_index, batch, W1, b1, W2, b2, Wlin, blin):
    h = gcn_conv(x, edge_index, W1, b1, N)
    h = jax.nn.relu(h)
    h = gcn_conv(h, edge_index, W2, b2, N)
    h = jax.nn.relu(h)
    h = global_mean_pool(h, batch, G)
    # dropout(p=0.5) is identity in eval mode
    out = h @ Wlin + blin
    return out

if __name__ == "__main__":
    import jax
    _d = setup_inputs()
    print(jax.jit(kernel)(*tuple(_d.values())))

</pallas_src>

<mosaic_0001>
#map = affine_map<(d0, d1) -> (0, 0, 0)>
#map1 = affine_map<(d0, d1) -> (0, 0)>
module attributes {stable_mosaic.version = 14 : i64} {
  func.func @_agg_sc(%arg0: i32, %arg1: i32, %arg2: memref<32x80x125xi32, #tpu.memory_space<hbm>>, %arg3: memref<32x80x125xi32, #tpu.memory_space<hbm>>, %arg4: memref<10000x128xf32, #tpu.memory_space<hbm>>, %arg5: memref<10000x128xf32, #tpu.memory_space<hbm>>, %arg6: memref<2x10000x128xf32, #tpu.memory_space<hbm>>, %arg7: memref<80x125xi32, #tpu.memory_space<vmem>>, %arg8: memref<80x125xi32, #tpu.memory_space<vmem>>, %arg9: memref<125x128xf32, #tpu.memory_space<vmem>>, %arg10: memref<10000x128xf32, #tpu.memory_space<vmem_shared>>) attributes {dimension_semantics = [#tpu.dimension_semantics<core_parallel>, #tpu.dimension_semantics<subcore_parallel>], iteration_bounds = array<i64: 2, 16>, scalar_prefetch = 0 : i64, scratch_operands = 4 : i64, tpu.core_type = #tpu.core_type<sc_vector_subcore>, window_params = [{transform_indices = #map}, {transform_indices = #map}, {transform_indices = #map1}, {transform_indices = #map1}, {transform_indices = #map}]} {
    %mul3A = arith.constant 16 : i32
    %mul3A_0 = arith.muli %arg0, %mul3A : i32
    %add3A = arith.addi %mul3A_0, %arg1 : i32
    "tpu.region"() ({
      %run_scoped3A = tpu.sem_alloc : memref<!tpu.dma_semaphore, #tpu.memory_space<semaphore_mem>>
      %dma_start3A = arith.constant 0 : i32
      %dma_start3A_20 = arith.constant 0 : i32
      %dma_start3A_21 = tpu.memref_slice %arg2[%add3A, %dma_start3A, %dma_start3A_20] : memref<32x80x125xi32, #tpu.memory_space<hbm>> -> memref<1x80x125xi32, #tpu.memory_space<hbm>>
      %dma_start3A_22 = tpu.memref_squeeze %dma_start3A_21 : memref<1x80x125xi32, #tpu.memory_space<hbm>> -> memref<80x125xi32, #tpu.memory_space<hbm>>
      %dma_start3A_23 = arith.constant 0 : i32
      %dma_start3A_24 = arith.constant 0 : i32
      %dma_start3A_25 = tpu.memref_slice %arg2[%add3A, %dma_start3A_23, %dma_start3A_24] : memref<32x80x125xi32, #tpu.memory_space<hbm>> -> memref<1x80x125xi32, #tpu.memory_space<hbm>>
      %dma_start3A_26 = tpu.memref_squeeze %dma_start3A_25 : memref<1x80x125xi32, #tpu.memory_space<hbm>> -> memref<80x125xi32, #tpu.memory_space<hbm>>
      tpu.enqueue_dma source(%dma_start3A_26 : memref<80x125xi32, #tpu.memory_space<hbm>>) target(%arg7 : memref<80x125xi32, #tpu.memory_space<vmem>>) target_semaphore(%run_scoped3A : memref<!tpu.dma_semaphore, #tpu.memory_space<semaphore_mem>>)
      %dma_wait3A = arith.constant 0 : i32
      %dma_wait3A_27 = arith.constant 0 : i32
      %dma_wait3A_28 = tpu.memref_slice %arg2[%add3A, %dma_wait3A, %dma_wait3A_27] : memref<32x80x125xi32, #tpu.memory_space<hbm>> -> memref<1x80x125xi32, #tpu.memory_space<hbm>>
      %dma_wait3A_29 = tpu.memref_squeeze %dma_wait3A_28 : memref<1x80x125xi32, #tpu.memory_space<hbm>> -> memref<80x125xi32, #tpu.memory_space<hbm>>
      %dma_wait3A_30 = arith.constant 0 : i32
      %dma_wait3A_31 = arith.constant 0 : i32
      %dma_wait3A_32 = tpu.memref_slice %arg2[%add3A, %dma_wait3A_30, %dma_wait3A_31] : memref<32x80x125xi32, #tpu.memory_space<hbm>> -> memref<1x80x125xi32, #tpu.memory_space<hbm>>
      %dma_wait3A_33 = tpu.memref_squeeze %dma_wait3A_32 : memref<1x80x125xi32, #tpu.memory_space<hbm>> -> memref<80x125xi32, #tpu.memory_space<hbm>>
      tpu.wait_dma2 semaphore(%run_scoped3A : memref<!tpu.dma_semaphore, #tpu.memory_space<semaphore_mem>>) src(%dma_wait3A_33 : memref<80x125xi32, #tpu.memory_space<hbm>>) dst(%arg7 : memref<80x125xi32, #tpu.memory_space<vmem>>)
      tpu.yield
    }) : () -> ()
    "tpu.region"() ({
      %run_scoped3A = tpu.sem_alloc : memref<!tpu.dma_semaphore, #tpu.memory_space<semaphore_mem>>
      %dma_start3A = arith.constant 0 : i32
      %dma_start3A_20 = arith.constant 0 : i32
      %dma_start3A_21 = tpu.memref_slice %arg3[%add3A, %dma_start3A, %dma_start3A_20] : memref<32x80x125xi32, #tpu.memory_space<hbm>> -> memref<1x80x125xi32, #tpu.memory_space<hbm>>
      %dma_start3A_22 = tpu.memref_squeeze %dma_start3A_21 : memref<1x80x125xi32, #tpu.memory_space<hbm>> -> memref<80x125xi32, #tpu.memory_space<hbm>>
      %dma_start3A_23 = arith.constant 0 : i32
      %dma_start3A_24 = arith.constant 0 : i32
      %dma_start3A_25 = tpu.memref_slice %arg3[%add3A, %dma_start3A_23, %dma_start3A_24] : memref<32x80x125xi32, #tpu.memory_space<hbm>> -> memref<1x80x125xi32, #tpu.memory_space<hbm>>
      %dma_start3A_26 = tpu.memref_squeeze %dma_start3A_25 : memref<1x80x125xi32, #tpu.memory_space<hbm>> -> memref<80x125xi32, #tpu.memory_space<hbm>>
      tpu.enqueue_dma source(%dma_start3A_26 : memref<80x125xi32, #tpu.memory_space<hbm>>) target(%arg8 : memref<80x125xi32, #tpu.memory_space<vmem>>) target_semaphore(%run_scoped3A : memref<!tpu.dma_semaphore, #tpu.memory_space<semaphore_mem>>)
      %dma_wait3A = arith.constant 0 : i32
      %dma_wait3A_27 = arith.constant 0 : i32
      %dma_wait3A_28 = tpu.memref_slice %arg3[%add3A, %dma_wait3A, %dma_wait3A_27] : memref<32x80x125xi32, #tpu.memory_space<hbm>> -> memref<1x80x125xi32, #tpu.memory_space<hbm>>
      %dma_wait3A_29 = tpu.memref_squeeze %dma_wait3A_28 : memref<1x80x125xi32, #tpu.memory_space<hbm>> -> memref<80x125xi32, #tpu.memory_space<hbm>>
      %dma_wait3A_30 = arith.constant 0 : i32
      %dma_wait3A_31 = arith.constant 0 : i32
      %dma_wait3A_32 = tpu.memref_slice %arg3[%add3A, %dma_wait3A_30, %dma_wait3A_31] : memref<32x80x125xi32, #tpu.memory_space<hbm>> -> memref<1x80x125xi32, #tpu.memory_space<hbm>>
      %dma_wait3A_33 = tpu.memref_squeeze %dma_wait3A_32 : memref<1x80x125xi32, #tpu.memory_space<hbm>> -> memref<80x125xi32, #tpu.memory_space<hbm>>
      tpu.wait_dma2 semaphore(%run_scoped3A : memref<!tpu.dma_semaphore, #tpu.memory_space<semaphore_mem>>) src(%dma_wait3A_33 : memref<80x125xi32, #tpu.memory_space<hbm>>) dst(%arg8 : memref<80x125xi32, #tpu.memory_space<vmem>>)
      tpu.yield
    }) : () -> ()
    %mul3A_1 = arith.constant 624 : i32
    %mul3A_2 = arith.muli %arg1, %mul3A_1 : i32
    %multiple_of3A = tpu.assume_multiple %mul3A_2, 8 : i32
    "tpu.region"() ({
      %run_scoped3A = tpu.sem_alloc : memref<!tpu.dma_semaphore, #tpu.memory_space<semaphore_mem>>
      %dma_start3A = arith.constant 0 : i32
      %dma_start3A_20 = tpu.memref_slice %arg10[%multiple_of3A, %dma_start3A] : memref<10000x128xf32, #tpu.memory_space<vmem_shared>> -> memref<624x128xf32, #tpu.memory_space<vmem_shared>>
      %dma_start3A_21 = arith.constant 0 : i32
      %dma_start3A_22 = tpu.memref_slice %arg5[%multiple_of3A, %dma_start3A_21] : memref<10000x128xf32, #tpu.memory_space<hbm>> -> memref<624x128xf32, #tpu.memory_space<hbm>>
      tpu.enqueue_dma source(%dma_start3A_22 : memref<624x128xf32, #tpu.memory_space<hbm>>) target(%dma_start3A_20 : memref<624x128xf32, #tpu.memory_space<vmem_shared>>) target_semaphore(%run_scoped3A : memref<!tpu.dma_semaphore, #tpu.memory_space<semaphore_mem>>)
      %dma_wait3A = arith.constant 0 : i32
      %dma_wait3A_23 = tpu.memref_slice %arg10[%multiple_of3A, %dma_wait3A] : memref<10000x128xf32, #tpu.memory_space<vmem_shared>> -> memref<624x128xf32, #tpu.memory_space<vmem_shared>>
      %dma_wait3A_24 = arith.constant 0 : i32
      %dma_wait3A_25 = tpu.memref_slice %arg5[%multiple_of3A, %dma_wait3A_24] : memref<10000x128xf32, #tpu.memory_space<hbm>> -> memref<624x128xf32, #tpu.memory_space<hbm>>
      tpu.wait_dma2 semaphore(%run_scoped3A : memref<!tpu.dma_semaphore, #tpu.memory_space<semaphore_mem>>) src(%dma_wait3A_25 : memref<624x128xf32, #tpu.memory_space<hbm>>) dst(%dma_wait3A_23 : memref<624x128xf32, #tpu.memory_space<vmem_shared>>)
      tpu.yield
    }) : () -> ()
    %eq3A = arith.constant 15 : i32
    %eq3A_3 = arith.cmpi eq, %arg1, %eq3A : i32
    %convert_element_type3A = arith.extui %eq3A_3 : i1 to i32
    %cond3A = arith.constant 0 : i32
    %cond3A_4 = arith.cmpi ne, %convert_element_type3A, %cond3A : i32
    scf.if %cond3A_4 {
      "tpu.region"() ({
        %run_scoped3A = tpu.sem_alloc : memref<!tpu.dma_semaphore, #tpu.memory_space<semaphore_mem>>
        %dma_start3A = arith.constant 9984 : i32
        %dma_start3A_20 = arith.constant 0 : i32
        %dma_start3A_21 = tpu.memref_slice %arg10[%dma_start3A, %dma_start3A_20] : memref<10000x128xf32, #tpu.memory_space<vmem_shared>> -> memref<16x128xf32, #tpu.memory_space<vmem_shared>>
        %dma_start3A_22 = arith.constant 9984 : i32
        %dma_start3A_23 = arith.constant 0 : i32
        %dma_start3A_24 = tpu.memref_slice %arg5[%dma_start3A_22, %dma_start3A_23] : memref<10000x128xf32, #tpu.memory_space<hbm>> -> memref<16x128xf32, #tpu.memory_space<hbm>>
        tpu.enqueue_dma source(%dma_start3A_24 : memref<16x128xf32, #tpu.memory_space<hbm>>) target(%dma_start3A_21 : memref<16x128xf32, #tpu.memory_space<vmem_shared>>) target_semaphore(%run_scoped3A : memref<!tpu.dma_semaphore, #tpu.memory_space<semaphore_mem>>)
        %dma_wait3A = arith.constant 9984 : i32
        %dma_wait3A_25 = arith.constant 0 : i32
        %dma_wait3A_26 = tpu.memref_slice %arg10[%dma_wait3A, %dma_wait3A_25] : memref<10000x128xf32, #tpu.memory_space<vmem_shared>> -> memref<16x128xf32, #tpu.memory_space<vmem_shared>>
        %dma_wait3A_27 = arith.constant 9984 : i32
        %dma_wait3A_28 = arith.constant 0 : i32
        %dma_wait3A_29 = tpu.memref_slice %arg5[%dma_wait3A_27, %dma_wait3A_28] : memref<10000x128xf32, #tpu.memory_space<hbm>> -> memref<16x128xf32, #tpu.memory_space<hbm>>
        tpu.wait_dma2 semaphore(%run_scoped3A : memref<!tpu.dma_semaphore, #tpu.memory_space<semaphore_mem>>) src(%dma_wait3A_29 : memref<16x128xf32, #tpu.memory_space<hbm>>) dst(%dma_wait3A_26 : memref<16x128xf32, #tpu.memory_space<vmem_shared>>)
        tpu.yield
      }) : () -> ()
    } else {
    }
    %barrier3A = arith.constant 0 : index
    tpu.barrier barrier_id(%barrier3A)
    %scan3A = arith.constant 0 : i32
    %scan3A_5 = arith.constant 0 : i32
    %scan3A_6 = arith.constant 80 : i32
    %scan3A_7 = arith.addi %scan3A_5, %scan3A_6 : i32
    %scan3A_8 = arith.constant 1 : i32
    %scan3A_9 = scf.for %scan3A_20 = %scan3A_5 to %scan3A_7 step %scan3A_8 iter_args(%scan3A_21 = %scan3A) -> (i32)  : i32 {
      "tpu.region"() ({
        %run_scoped3A = tpu.sem_alloc : memref<!tpu.dma_semaphore, #tpu.memory_space<semaphore_mem>>
        %dma_start3A = arith.constant 0 : i32
        %dma_start3A_23 = tpu.memref_slice %arg7[%scan3A_20, %dma_start3A] : memref<80x125xi32, #tpu.memory_space<vmem>> -> memref<1x125xi32, #tpu.memory_space<vmem>>
        %dma_start3A_24 = tpu.memref_squeeze %dma_start3A_23 : memref<1x125xi32, #tpu.memory_space<vmem>> -> memref<125xi32, #tpu.memory_space<vmem>>
        %dma_start3A_25 = arith.constant 0 : i32
        %dma_start3A_26 = arith.constant 0 : i32
        %dma_start3A_27 = tpu.memref_slice %arg4[%dma_start3A_25, %dma_start3A_26] : memref<10000x128xf32, #tpu.memory_space<hbm>> -> memref<10000x128xf32, #tpu.memory_space<hbm>>
        tpu.enqueue_indirect_dma source(%dma_start3A_27 : memref<10000x128xf32, #tpu.memory_space<hbm>>) target(%arg9 : memref<125x128xf32, #tpu.memory_space<vmem>>) offsets(%dma_start3A_24 : memref<125xi32, #tpu.memory_space<vmem>>) semaphore(%run_scoped3A : memref<!tpu.dma_semaphore, #tpu.memory_space<semaphore_mem>>)
        %dma_wait3A = arith.constant 0 : i32
        %dma_wait3A_28 = tpu.memref_slice %arg7[%scan3A_20, %dma_wait3A] : memref<80x125xi32, #tpu.memory_space<vmem>> -> memref<1x125xi32, #tpu.memory_space<vmem>>
        %dma_wait3A_29 = tpu.memref_squeeze %dma_wait3A_28 : memref<1x125xi32, #tpu.memory_space<vmem>> -> memref<125xi32, #tpu.memory_space<vmem>>
        %dma_wait3A_30 = arith.constant 0 : i32
        %dma_wait3A_31 = arith.constant 0 : i32
        %dma_wait3A_32 = tpu.memref_slice %arg4[%dma_wait3A_30, %dma_wait3A_31] : memref<10000x128xf32, #tpu.memory_space<hbm>> -> memref<10000x128xf32, #tpu.memory_space<hbm>>
        tpu.wait_indirect_dma semaphore(%run_scoped3A : memref<!tpu.dma_semaphore, #tpu.memory_space<semaphore_mem>>) src(%dma_wait3A_32 : memref<10000x128xf32, #tpu.memory_space<hbm>>) dst(%arg9 : memref<125x128xf32, #tpu.memory_space<vmem>>)
        tpu.yield
      }) : () -> ()
      "tpu.region"() ({
        %run_scoped3A = tpu.sem_alloc : memref<!tpu.dma_semaphore, #tpu.memory_space<semaphore_mem>>
        %dma_start3A = arith.constant 0 : i32
        %dma_start3A_23 = tpu.memref_slice %arg8[%scan3A_20, %dma_start3A] : memref<80x125xi32, #tpu.memory_space<vmem>> -> memref<1x125xi32, #tpu.memory_space<vmem>>
        %dma_start3A_24 = tpu.memref_squeeze %dma_start3A_23 : memref<1x125xi32, #tpu.memory_space<vmem>> -> memref<125xi32, #tpu.memory_space<vmem>>
        %dma_start3A_25 = arith.constant 0 : i32
        %dma_start3A_26 = arith.constant 0 : i32
        %dma_start3A_27 = tpu.memref_slice %arg10[%dma_start3A_25, %dma_start3A_26] : memref<10000x128xf32, #tpu.memory_space<vmem_shared>> -> memref<10000x128xf32, #tpu.memory_space<vmem_shared>>
        tpu.enqueue_indirect_dma source(%arg9 : memref<125x128xf32, #tpu.memory_space<vmem>>) target(%dma_start3A_27 : memref<10000x128xf32, #tpu.memory_space<vmem_shared>>) offsets(%dma_start3A_24 : memref<125xi32, #tpu.memory_space<vmem>>) semaphore(%run_scoped3A : memref<!tpu.dma_semaphore, #tpu.memory_space<semaphore_mem>>) {add = true}
        %dma_wait3A = arith.constant 0 : i32
        %dma_wait3A_28 = tpu.memref_slice %arg8[%scan3A_20, %dma_wait3A] : memref<80x125xi32, #tpu.memory_space<vmem>> -> memref<1x125xi32, #tpu.memory_space<vmem>>
        %dma_wait3A_29 = tpu.memref_squeeze %dma_wait3A_28 : memref<1x125xi32, #tpu.memory_space<vmem>> -> memref<125xi32, #tpu.memory_space<vmem>>
        %dma_wait3A_30 = arith.constant 0 : i32
        %dma_wait3A_31 = arith.constant 0 : i32
        %dma_wait3A_32 = tpu.memref_slice %arg10[%dma_wait3A_30, %dma_wait3A_31] : memref<10000x128xf32, #tpu.memory_space<vmem_shared>> -> memref<10000x128xf32, #tpu.memory_space<vmem_shared>>
        tpu.wait_indirect_dma semaphore(%run_scoped3A : memref<!tpu.dma_semaphore, #tpu.memory_space<semaphore_mem>>) src(%arg9 : memref<125x128xf32, #tpu.memory_space<vmem>>) dst(%dma_wait3A_32 : memref<10000x128xf32, #tpu.memory_space<vmem_shared>>)
        tpu.yield
      }) : () -> ()
      %scan3A_22 = arith.constant 0 : i32
      scf.yield %scan3A_22 : i32
    }
    %scan3A_10 = arith.constant 80 : i32
    %barrier3A_11 = arith.constant 0 : index
    tpu.barrier barrier_id(%barrier3A_11)
    %mul3A_12 = arith.constant 624 : i32
    %mul3A_13 = arith.muli %arg1, %mul3A_12 : i32
    %multiple_of3A_14 = tpu.assume_multiple %mul3A_13, 8 : i32
    "tpu.region"() ({
      %run_scoped3A = tpu.sem_alloc : memref<!tpu.dma_semaphore, #tpu.memory_space<semaphore_mem>>
      %dma_start3A = arith.constant 0 : i32
      %dma_start3A_20 = tpu.memref_slice %arg6[%arg0, %multiple_of3A_14, %dma_start3A] : memref<2x10000x128xf32, #tpu.memory_space<hbm>> -> memref<1x624x128xf32, #tpu.memory_space<hbm>>
      %dma_start3A_21 = tpu.memref_squeeze %dma_start3A_20 : memref<1x624x128xf32, #tpu.memory_space<hbm>> -> memref<624x128xf32, #tpu.memory_space<hbm>>
      %dma_start3A_22 = arith.constant 0 : i32
      %dma_start3A_23 = tpu.memref_slice %arg10[%multiple_of3A_14, %dma_start3A_22] : memref<10000x128xf32, #tpu.memory_space<vmem_shared>> -> memref<624x128xf32, #tpu.memory_space<vmem_shared>>
      tpu.enqueue_dma source(%dma_start3A_23 : memref<624x128xf32, #tpu.memory_space<vmem_shared>>) target(%dma_start3A_21 : memref<624x128xf32, #tpu.memory_space<hbm>>) target_semaphore(%run_scoped3A : memref<!tpu.dma_semaphore, #tpu.memory_space<semaphore_mem>>)
      %dma_wait3A = arith.constant 0 : i32
      %dma_wait3A_24 = tpu.memref_slice %arg6[%arg0, %multiple_of3A_14, %dma_wait3A] : memref<2x10000x128xf32, #tpu.memory_space<hbm>> -> memref<1x624x128xf32, #tpu.memory_space<hbm>>
      %dma_wait3A_25 = tpu.memref_squeeze %dma_wait3A_24 : memref<1x624x128xf32, #tpu.memory_space<hbm>> -> memref<624x128xf32, #tpu.memory_space<hbm>>
      %dma_wait3A_26 = arith.constant 0 : i32
      %dma_wait3A_27 = tpu.memref_slice %arg10[%multiple_of3A_14, %dma_wait3A_26] : memref<10000x128xf32, #tpu.memory_space<vmem_shared>> -> memref<624x128xf32, #tpu.memory_space<vmem_shared>>
      tpu.wait_dma2 semaphore(%run_scoped3A : memref<!tpu.dma_semaphore, #tpu.memory_space<semaphore_mem>>) src(%dma_wait3A_27 : memref<624x128xf32, #tpu.memory_space<vmem_shared>>) dst(%dma_wait3A_25 : memref<624x128xf32, #tpu.memory_space<hbm>>)
      tpu.yield
    }) : () -> ()
    %eq3A_15 = arith.constant 15 : i32
    %eq3A_16 = arith.cmpi eq, %arg1, %eq3A_15 : i32
    %convert_element_type3A_17 = arith.extui %eq3A_16 : i1 to i32
    %cond3A_18 = arith.constant 0 : i32
    %cond3A_19 = arith.cmpi ne, %convert_element_type3A_17, %cond3A_18 : i32
    scf.if %cond3A_19 {
      "tpu.region"() ({
        %run_scoped3A = tpu.sem_alloc : memref<!tpu.dma_semaphore, #tpu.memory_space<semaphore_mem>>
        %dma_start3A = arith.constant 9984 : i32
        %dma_start3A_20 = arith.constant 0 : i32
        %dma_start3A_21 = tpu.memref_slice %arg6[%arg0, %dma_start3A, %dma_start3A_20] : memref<2x10000x128xf32, #tpu.memory_space<hbm>> -> memref<1x16x128xf32, #tpu.memory_space<hbm>>
        %dma_start3A_22 = tpu.memref_squeeze %dma_start3A_21 : memref<1x16x128xf32, #tpu.memory_space<hbm>> -> memref<16x128xf32, #tpu.memory_space<hbm>>
        %dma_start3A_23 = arith.constant 9984 : i32
        %dma_start3A_24 = arith.constant 0 : i32
        %dma_start3A_25 = tpu.memref_slice %arg10[%dma_start3A_23, %dma_start3A_24] : memref<10000x128xf32, #tpu.memory_space<vmem_shared>> -> memref<16x128xf32, #tpu.memory_space<vmem_shared>>
        tpu.enqueue_dma source(%dma_start3A_25 : memref<16x128xf32, #tpu.memory_space<vmem_shared>>) target(%dma_start3A_22 : memref<16x128xf32, #tpu.memory_space<hbm>>) target_semaphore(%run_scoped3A : memref<!tpu.dma_semaphore, #tpu.memory_space<semaphore_mem>>)
        %dma_wait3A = arith.constant 9984 : i32
        %dma_wait3A_26 = arith.constant 0 : i32
        %dma_wait3A_27 = tpu.memref_slice %arg6[%arg0, %dma_wait3A, %dma_wait3A_26] : memref<2x10000x128xf32, #tpu.memory_space<hbm>> -> memref<1x16x128xf32, #tpu.memory_space<hbm>>
        %dma_wait3A_28 = tpu.memref_squeeze %dma_wait3A_27 : memref<1x16x128xf32, #tpu.memory_space<hbm>> -> memref<16x128xf32, #tpu.memory_space<hbm>>
        %dma_wait3A_29 = arith.constant 9984 : i32
        %dma_wait3A_30 = arith.constant 0 : i32
        %dma_wait3A_31 = tpu.memref_slice %arg10[%dma_wait3A_29, %dma_wait3A_30] : memref<10000x128xf32, #tpu.memory_space<vmem_shared>> -> memref<16x128xf32, #tpu.memory_space<vmem_shared>>
        tpu.wait_dma2 semaphore(%run_scoped3A : memref<!tpu.dma_semaphore, #tpu.memory_space<semaphore_mem>>) src(%dma_wait3A_31 : memref<16x128xf32, #tpu.memory_space<vmem_shared>>) dst(%dma_wait3A_28 : memref<16x128xf32, #tpu.memory_space<hbm>>)
        tpu.yield
      }) : () -> ()
    } else {
    }
    return
  }
}

#map = affine_map<(d0, d1) -> (0, 0, 0)>
#map1 = affine_map<(d0, d1) -> (0, 0)>
module attributes {stable_mosaic.version = 14 : i64} {
  func.func @_deg_sc(%arg0: i32, %arg1: i32, %arg2: memref<32x625x16xi32, #tpu.memory_space<hbm>>, %arg3: memref<32x10000xi32, #tpu.memory_space<hbm>>, %arg4: memref<625x16xi32, #tpu.memory_space<vmem>>, %arg5: memref<10000xi32, #tpu.memory_space<vmem>>) attributes {dimension_semantics = [#tpu.dimension_semantics<core_parallel>, #tpu.dimension_semantics<subcore_parallel>], iteration_bounds = array<i64: 2, 16>, scalar_prefetch = 0 : i64, scratch_operands = 2 : i64, tpu.core_type = #tpu.core_type<sc_vector_subcore>, window_params = [{transform_indices = #map}, {transform_indices = #map1}]} {
    %mul3A = arith.constant 16 : i32
    %mul3A_0 = arith.muli %arg0, %mul3A : i32
    %add3A = arith.addi %mul3A_0, %arg1 : i32
    "tpu.region"() ({
      %run_scoped3A = tpu.sem_alloc : memref<!tpu.dma_semaphore, #tpu.memory_space<semaphore_mem>>
      %dma_start3A = arith.constant 0 : i32
      %dma_start3A_14 = arith.constant 0 : i32
      %dma_start3A_15 = tpu.memref_slice %arg2[%add3A, %dma_start3A, %dma_start3A_14] : memref<32x625x16xi32, #tpu.memory_space<hbm>> -> memref<1x625x16xi32, #tpu.memory_space<hbm>>
      %dma_start3A_16 = tpu.memref_squeeze %dma_start3A_15 : memref<1x625x16xi32, #tpu.memory_space<hbm>> -> memref<625x16xi32, #tpu.memory_space<hbm>>
      %dma_start3A_17 = arith.constant 0 : i32
      %dma_start3A_18 = arith.constant 0 : i32
      %dma_start3A_19 = tpu.memref_slice %arg2[%add3A, %dma_start3A_17, %dma_start3A_18] : memref<32x625x16xi32, #tpu.memory_space<hbm>> -> memref<1x625x16xi32, #tpu.memory_space<hbm>>
      %dma_start3A_20 = tpu.memref_squeeze %dma_start3A_19 : memref<1x625x16xi32, #tpu.memory_space<hbm>> -> memref<625x16xi32, #tpu.memory_space<hbm>>
      tpu.enqueue_dma source(%dma_start3A_20 : memref<625x16xi32, #tpu.memory_space<hbm>>) target(%arg4 : memref<625x16xi32, #tpu.memory_space<vmem>>) target_semaphore(%run_scoped3A : memref<!tpu.dma_semaphore, #tpu.memory_space<semaphore_mem>>)
      %dma_wait3A = arith.constant 0 : i32
      %dma_wait3A_21 = arith.constant 0 : i32
      %dma_wait3A_22 = tpu.memref_slice %arg2[%add3A, %dma_wait3A, %dma_wait3A_21] : memref<32x625x16xi32, #tpu.memory_space<hbm>> -> memref<1x625x16xi32, #tpu.memory_space<hbm>>
      %dma_wait3A_23 = tpu.memref_squeeze %dma_wait3A_22 : memref<1x625x16xi32, #tpu.memory_space<hbm>> -> memref<625x16xi32, #tpu.memory_space<hbm>>
      %dma_wait3A_24 = arith.constant 0 : i32
      %dma_wait3A_25 = arith.constant 0 : i32
      %dma_wait3A_26 = tpu.memref_slice %arg2[%add3A, %dma_wait3A_24, %dma_wait3A_25] : memref<32x625x16xi32, #tpu.memory_space<hbm>> -> memref<1x625x16xi32, #tpu.memory_space<hbm>>
      %dma_wait3A_27 = tpu.memref_squeeze %dma_wait3A_26 : memref<1x625x16xi32, #tpu.memory_space<hbm>> -> memref<625x16xi32, #tpu.memory_space<hbm>>
      tpu.wait_dma2 semaphore(%run_scoped3A : memref<!tpu.dma_semaphore, #tpu.memory_space<semaphore_mem>>) src(%dma_wait3A_27 : memref<625x16xi32, #tpu.memory_space<hbm>>) dst(%arg4 : memref<625x16xi32, #tpu.memory_space<vmem>>)
      tpu.yield
    }) : () -> ()
    %scan3A = arith.constant 0 : i32
    %scan3A_1 = arith.constant 0 : i32
    %scan3A_2 = arith.constant 625 : i32
    %scan3A_3 = arith.addi %scan3A_1, %scan3A_2 : i32
    %scan3A_4 = arith.constant 1 : i32
    %scan3A_5 = scf.for %scan3A_14 = %scan3A_1 to %scan3A_3 step %scan3A_4 iter_args(%scan3A_15 = %scan3A) -> (i32)  : i32 {
      %broadcast_in_dim3A = arith.constant 0 : i32
      %broadcast_in_dim3A_16 = vector.broadcast %broadcast_in_dim3A : i32 to vector<16xi32>
      %mul3A_17 = arith.constant 16 : i32
      %mul3A_18 = arith.muli %scan3A_14, %mul3A_17 : i32
      %multiple_of3A = tpu.assume_multiple %mul3A_18, 16 : i32
      %swap3A = arith.index_cast %multiple_of3A : i32 to index
      %swap3A_19 = tpu.vector_load %arg5[%swap3A] {strides = array<i32>} : memref<10000xi32, #tpu.memory_space<vmem>>, vector<16xi32>,
      tpu.vector_store %arg5[%swap3A], %broadcast_in_dim3A_16 {strides = array<i32>} : memref<10000xi32, #tpu.memory_space<vmem>>, vector<16xi32>,
      %scan3A_20 = arith.constant 0 : i32
      scf.yield %scan3A_20 : i32
    }
    %scan3A_6 = arith.constant 625 : i32
    %scan3A_7 = arith.constant 0 : i32
    %scan3A_8 = arith.constant 0 : i32
    %scan3A_9 = arith.constant 625 : i32
    %scan3A_10 = arith.addi %scan3A_8, %scan3A_9 : i32
    %scan3A_11 = arith.constant 1 : i32
    %scan3A_12 = scf.for %scan3A_14 = %scan3A_8 to %scan3A_10 step %scan3A_11 iter_args(%scan3A_15 = %scan3A_7) -> (i32)  : i32 {
      %get3A = arith.index_cast %scan3A_14 : i32 to index
      %get3A_16 = arith.constant 0 : index
      %get3A_17 = tpu.vector_load %arg4[%get3A, %get3A_16] {strides = array<i32>} : memref<625x16xi32, #tpu.memory_space<vmem>>, vector<16xi32>,
      %broadcast_in_dim3A = arith.constant true
      %broadcast_in_dim3A_18 = vector.broadcast %broadcast_in_dim3A : i1 to vector<16xi1>
      %unique3A, %unique3A_19 = tpu.scan_count mask(%broadcast_in_dim3A_18 : vector<16xi1>) value(%get3A_17 : vector<16xi32>) : vector<16xi1>, vector<16xi32>
      tpu.vector_store_idx %arg5[%get3A_17], %unique3A_19 masked %unique3A {add = true} : memref<10000xi32, #tpu.memory_space<vmem>>[vector<16xi32>], vector<16xi32>, vector<16xi1>
      %scan3A_20 = arith.constant 0 : i32
      scf.yield %scan3A_20 : i32
    }
    %scan3A_13 = arith.constant 625 : i32
    "tpu.region"() ({
      %run_scoped3A = tpu.sem_alloc : memref<!tpu.dma_semaphore, #tpu.memory_space<semaphore_mem>>
      %dma_start3A = arith.constant 0 : i32
      %dma_start3A_14 = tpu.memref_slice %arg3[%add3A, %dma_start3A] : memref<32x10000xi32, #tpu.memory_space<hbm>> -> memref<1x10000xi32, #tpu.memory_space<hbm>>
      %dma_start3A_15 = tpu.memref_squeeze %dma_start3A_14 : memref<1x10000xi32, #tpu.memory_space<hbm>> -> memref<10000xi32, #tpu.memory_space<hbm>>
      %dma_start3A_16 = arith.constant 0 : i32
      %dma_start3A_17 = tpu.memref_slice %arg3[%add3A, %dma_start3A_16] : memref<32x10000xi32, #tpu.memory_space<hbm>> -> memref<1x10000xi32, #tpu.memory_space<hbm>>
      %dma_start3A_18 = tpu.memref_squeeze %dma_start3A_17 : memref<1x10000xi32, #tpu.memory_space<hbm>> -> memref<10000xi32, #tpu.memory_space<hbm>>
      tpu.enqueue_dma source(%arg5 : memref<10000xi32, #tpu.memory_space<vmem>>) target(%dma_start3A_18 : memref<10000xi32, #tpu.memory_space<hbm>>) target_semaphore(%run_scoped3A : memref<!tpu.dma_semaphore, #tpu.memory_space<semaphore_mem>>)
      %dma_wait3A = arith.constant 0 : i32
      %dma_wait3A_19 = tpu.memref_slice %arg3[%add3A, %dma_wait3A] : memref<32x10000xi32, #tpu.memory_space<hbm>> -> memref<1x10000xi32, #tpu.memory_space<hbm>>
      %dma_wait3A_20 = tpu.memref_squeeze %dma_wait3A_19 : memref<1x10000xi32, #tpu.memory_space<hbm>> -> memref<10000xi32, #tpu.memory_space<hbm>>
      %dma_wait3A_21 = arith.constant 0 : i32
      %dma_wait3A_22 = tpu.memref_slice %arg3[%add3A, %dma_wait3A_21] : memref<32x10000xi32, #tpu.memory_space<hbm>> -> memref<1x10000xi32, #tpu.memory_space<hbm>>
      %dma_wait3A_23 = tpu.memref_squeeze %dma_wait3A_22 : memref<1x10000xi32, #tpu.memory_space<hbm>> -> memref<10000xi32, #tpu.memory_space<hbm>>
      tpu.wait_dma2 semaphore(%run_scoped3A : memref<!tpu.dma_semaphore, #tpu.memory_space<semaphore_mem>>) src(%arg5 : memref<10000xi32, #tpu.memory_space<vmem>>) dst(%dma_wait3A_23 : memref<10000xi32, #tpu.memory_space<hbm>>)
      tpu.yield
    }) : () -> ()
    return
  }
}

#map = affine_map<(d0, d1) -> (0, 0, 0)>
#map1 = affine_map<(d0, d1) -> (0, 0)>
module attributes {stable_mosaic.version = 14 : i64} {
  func.func @_agg_sc(%arg0: i32, %arg1: i32, %arg2: memref<32x80x125xi32, #tpu.memory_space<hbm>>, %arg3: memref<32x80x125xi32, #tpu.memory_space<hbm>>, %arg4: memref<10000x128xf32, #tpu.memory_space<hbm>>, %arg5: memref<10000x128xf32, #tpu.memory_space<hbm>>, %arg6: memref<2x10000x128xf32, #tpu.memory_space<hbm>>, %arg7: memref<80x125xi32, #tpu.memory_space<vmem>>, %arg8: memref<80x125xi32, #tpu.memory_space<vmem>>, %arg9: memref<125x128xf32, #tpu.memory_space<vmem>>, %arg10: memref<10000x128xf32, #tpu.memory_space<vmem_shared>>) attributes {dimension_semantics = [#tpu.dimension_semantics<core_parallel>, #tpu.dimension_semantics<subcore_parallel>], iteration_bounds = array<i64: 2, 16>, scalar_prefetch = 0 : i64, scratch_operands = 4 : i64, tpu.core_type = #tpu.core_type<sc_vector_subcore>, window_params = [{transform_indices = #map}, {transform_indices = #map}, {transform_indices = #map1}, {transform_indices = #map1}, {transform_indices = #map}]} {
    %mul3A = arith.constant 16 : i32
    %mul3A_0 = arith.muli %arg0, %mul3A : i32
    %add3A = arith.addi %mul3A_0, %arg1 : i32
    "tpu.region"() ({
      %run_scoped3A = tpu.sem_alloc : memref<!tpu.dma_semaphore, #tpu.memory_space<semaphore_mem>>
      %dma_start3A = arith.constant 0 : i32
      %dma_start3A_20 = arith.constant 0 : i32
      %dma_start3A_21 = tpu.memref_slice %arg2[%add3A, %dma_start3A, %dma_start3A_20] : memref<32x80x125xi32, #tpu.memory_space<hbm>> -> memref<1x80x125xi32, #tpu.memory_space<hbm>>
      %dma_start3A_22 = tpu.memref_squeeze %dma_start3A_21 : memref<1x80x125xi32, #tpu.memory_space<hbm>> -> memref<80x125xi32, #tpu.memory_space<hbm>>
      %dma_start3A_23 = arith.constant 0 : i32
      %dma_start3A_24 = arith.constant 0 : i32
      %dma_start3A_25 = tpu.memref_slice %arg2[%add3A, %dma_start3A_23, %dma_start3A_24] : memref<32x80x125xi32, #tpu.memory_space<hbm>> -> memref<1x80x125xi32, #tpu.memory_space<hbm>>
      %dma_start3A_26 = tpu.memref_squeeze %dma_start3A_25 : memref<1x80x125xi32, #tpu.memory_space<hbm>> -> memref<80x125xi32, #tpu.memory_space<hbm>>
      tpu.enqueue_dma source(%dma_start3A_26 : memref<80x125xi32, #tpu.memory_space<hbm>>) target(%arg7 : memref<80x125xi32, #tpu.memory_space<vmem>>) target_semaphore(%run_scoped3A : memref<!tpu.dma_semaphore, #tpu.memory_space<semaphore_mem>>)
      %dma_wait3A = arith.constant 0 : i32
      %dma_wait3A_27 = arith.constant 0 : i32
      %dma_wait3A_28 = tpu.memref_slice %arg2[%add3A, %dma_wait3A, %dma_wait3A_27] : memref<32x80x125xi32, #tpu.memory_space<hbm>> -> memref<1x80x125xi32, #tpu.memory_space<hbm>>
      %dma_wait3A_29 = tpu.memref_squeeze %dma_wait3A_28 : memref<1x80x125xi32, #tpu.memory_space<hbm>> -> memref<80x125xi32, #tpu.memory_space<hbm>>
      %dma_wait3A_30 = arith.constant 0 : i32
      %dma_wait3A_31 = arith.constant 0 : i32
      %dma_wait3A_32 = tpu.memref_slice %arg2[%add3A, %dma_wait3A_30, %dma_wait3A_31] : memref<32x80x125xi32, #tpu.memory_space<hbm>> -> memref<1x80x125xi32, #tpu.memory_space<hbm>>
      %dma_wait3A_33 = tpu.memref_squeeze %dma_wait3A_32 : memref<1x80x125xi32, #tpu.memory_space<hbm>> -> memref<80x125xi32, #tpu.memory_space<hbm>>
      tpu.wait_dma2 semaphore(%run_scoped3A : memref<!tpu.dma_semaphore, #tpu.memory_space<semaphore_mem>>) src(%dma_wait3A_33 : memref<80x125xi32, #tpu.memory_space<hbm>>) dst(%arg7 : memref<80x125xi32, #tpu.memory_space<vmem>>)
      tpu.yield
    }) : () -> ()
    "tpu.region"() ({
      %run_scoped3A = tpu.sem_alloc : memref<!tpu.dma_semaphore, #tpu.memory_space<semaphore_mem>>
      %dma_start3A = arith.constant 0 : i32
      %dma_start3A_20 = arith.constant 0 : i32
      %dma_start3A_21 = tpu.memref_slice %arg3[%add3A, %dma_start3A, %dma_start3A_20] : memref<32x80x125xi32, #tpu.memory_space<hbm>> -> memref<1x80x125xi32, #tpu.memory_space<hbm>>
      %dma_start3A_22 = tpu.memref_squeeze %dma_start3A_21 : memref<1x80x125xi32, #tpu.memory_space<hbm>> -> memref<80x125xi32, #tpu.memory_space<hbm>>
      %dma_start3A_23 = arith.constant 0 : i32
      %dma_start3A_24 = arith.constant 0 : i32
      %dma_start3A_25 = tpu.memref_slice %arg3[%add3A, %dma_start3A_23, %dma_start3A_24] : memref<32x80x125xi32, #tpu.memory_space<hbm>> -> memref<1x80x125xi32, #tpu.memory_space<hbm>>
      %dma_start3A_26 = tpu.memref_squeeze %dma_start3A_25 : memref<1x80x125xi32, #tpu.memory_space<hbm>> -> memref<80x125xi32, #tpu.memory_space<hbm>>
      tpu.enqueue_dma source(%dma_start3A_26 : memref<80x125xi32, #tpu.memory_space<hbm>>) target(%arg8 : memref<80x125xi32, #tpu.memory_space<vmem>>) target_semaphore(%run_scoped3A : memref<!tpu.dma_semaphore, #tpu.memory_space<semaphore_mem>>)
      %dma_wait3A = arith.constant 0 : i32
      %dma_wait3A_27 = arith.constant 0 : i32
      %dma_wait3A_28 = tpu.memref_slice %arg3[%add3A, %dma_wait3A, %dma_wait3A_27] : memref<32x80x125xi32, #tpu.memory_space<hbm>> -> memref<1x80x125xi32, #tpu.memory_space<hbm>>
      %dma_wait3A_29 = tpu.memref_squeeze %dma_wait3A_28 : memref<1x80x125xi32, #tpu.memory_space<hbm>> -> memref<80x125xi32, #tpu.memory_space<hbm>>
      %dma_wait3A_30 = arith.constant 0 : i32
      %dma_wait3A_31 = arith.constant 0 : i32
      %dma_wait3A_32 = tpu.memref_slice %arg3[%add3A, %dma_wait3A_30, %dma_wait3A_31] : memref<32x80x125xi32, #tpu.memory_space<hbm>> -> memref<1x80x125xi32, #tpu.memory_space<hbm>>
      %dma_wait3A_33 = tpu.memref_squeeze %dma_wait3A_32 : memref<1x80x125xi32, #tpu.memory_space<hbm>> -> memref<80x125xi32, #tpu.memory_space<hbm>>
      tpu.wait_dma2 semaphore(%run_scoped3A : memref<!tpu.dma_semaphore, #tpu.memory_space<semaphore_mem>>) src(%dma_wait3A_33 : memref<80x125xi32, #tpu.memory_space<hbm>>) dst(%arg8 : memref<80x125xi32, #tpu.memory_space<vmem>>)
      tpu.yield
    }) : () -> ()
    %mul3A_1 = arith.constant 624 : i32
    %mul3A_2 = arith.muli %arg1, %mul3A_1 : i32
    %multiple_of3A = tpu.assume_multiple %mul3A_2, 8 : i32
    "tpu.region"() ({
      %run_scoped3A = tpu.sem_alloc : memref<!tpu.dma_semaphore, #tpu.memory_space<semaphore_mem>>
      %dma_start3A = arith.constant 0 : i32
      %dma_start3A_20 = tpu.memref_slice %arg10[%multiple_of3A, %dma_start3A] : memref<10000x128xf32, #tpu.memory_space<vmem_shared>> -> memref<624x128xf32, #tpu.memory_space<vmem_shared>>
      %dma_start3A_21 = arith.constant 0 : i32
      %dma_start3A_22 = tpu.memref_slice %arg5[%multiple_of3A, %dma_start3A_21] : memref<10000x128xf32, #tpu.memory_space<hbm>> -> memref<624x128xf32, #tpu.memory_space<hbm>>
      tpu.enqueue_dma source(%dma_start3A_22 : memref<624x128xf32, #tpu.memory_space<hbm>>) target(%dma_start3A_20 : memref<624x128xf32, #tpu.memory_space<vmem_shared>>) target_semaphore(%run_scoped3A : memref<!tpu.dma_semaphore, #tpu.memory_space<semaphore_mem>>)
      %dma_wait3A = arith.constant 0 : i32
      %dma_wait3A_23 = tpu.memref_slice %arg10[%multiple_of3A, %dma_wait3A] : memref<10000x128xf32, #tpu.memory_space<vmem_shared>> -> memref<624x128xf32, #tpu.memory_space<vmem_shared>>
      %dma_wait3A_24 = arith.constant 0 : i32
      %dma_wait3A_25 = tpu.memref_slice %arg5[%multiple_of3A, %dma_wait3A_24] : memref<10000x128xf32, #tpu.memory_space<hbm>> -> memref<624x128xf32, #tpu.memory_space<hbm>>
      tpu.wait_dma2 semaphore(%run_scoped3A : memref<!tpu.dma_semaphore, #tpu.memory_space<semaphore_mem>>) src(%dma_wait3A_25 : memref<624x128xf32, #tpu.memory_space<hbm>>) dst(%dma_wait3A_23 : memref<624x128xf32, #tpu.memory_space<vmem_shared>>)
      tpu.yield
    }) : () -> ()
    %eq3A = arith.constant 15 : i32
    %eq3A_3 = arith.cmpi eq, %arg1, %eq3A : i32
    %convert_element_type3A = arith.extui %eq3A_3 : i1 to i32
    %cond3A = arith.constant 0 : i32
    %cond3A_4 = arith.cmpi ne, %convert_element_type3A, %cond3A : i32
    scf.if %cond3A_4 {
      "tpu.region"() ({
        %run_scoped3A = tpu.sem_alloc : memref<!tpu.dma_semaphore, #tpu.memory_space<semaphore_mem>>
        %dma_start3A = arith.constant 9984 : i32
        %dma_start3A_20 = arith.constant 0 : i32
        %dma_start3A_21 = tpu.memref_slice %arg10[%dma_start3A, %dma_start3A_20] : memref<10000x128xf32, #tpu.memory_space<vmem_shared>> -> memref<16x128xf32, #tpu.memory_space<vmem_shared>>
        %dma_start3A_22 = arith.constant 9984 : i32
        %dma_start3A_23 = arith.constant 0 : i32
        %dma_start3A_24 = tpu.memref_slice %arg5[%dma_start3A_22, %dma_start3A_23] : memref<10000x128xf32, #tpu.memory_space<hbm>> -> memref<16x128xf32, #tpu.memory_space<hbm>>
        tpu.enqueue_dma source(%dma_start3A_24 : memref<16x128xf32, #tpu.memory_space<hbm>>) target(%dma_start3A_21 : memref<16x128xf32, #tpu.memory_space<vmem_shared>>) target_semaphore(%run_scoped3A : memref<!tpu.dma_semaphore, #tpu.memory_space<semaphore_mem>>)
        %dma_wait3A = arith.constant 9984 : i32
        %dma_wait3A_25 = arith.constant 0 : i32
        %dma_wait3A_26 = tpu.memref_slice %arg10[%dma_wait3A, %dma_wait3A_25] : memref<10000x128xf32, #tpu.memory_space<vmem_shared>> -> memref<16x128xf32, #tpu.memory_space<vmem_shared>>
        %dma_wait3A_27 = arith.constant 9984 : i32
        %dma_wait3A_28 = arith.constant 0 : i32
        %dma_wait3A_29 = tpu.memref_slice %arg5[%dma_wait3A_27, %dma_wait3A_28] : memref<10000x128xf32, #tpu.memory_space<hbm>> -> memref<16x128xf32, #tpu.memory_space<hbm>>
        tpu.wait_dma2 semaphore(%run_scoped3A : memref<!tpu.dma_semaphore, #tpu.memory_space<semaphore_mem>>) src(%dma_wait3A_29 : memref<16x128xf32, #tpu.memory_space<hbm>>) dst(%dma_wait3A_26 : memref<16x128xf32, #tpu.memory_space<vmem_shared>>)
        tpu.yield
      }) : () -> ()
    } else {
    }
    %barrier3A = arith.constant 0 : index
    tpu.barrier barrier_id(%barrier3A)
    %scan3A = arith.constant 0 : i32
    %scan3A_5 = arith.constant 0 : i32
    %scan3A_6 = arith.constant 80 : i32
    %scan3A_7 = arith.addi %scan3A_5, %scan3A_6 : i32
    %scan3A_8 = arith.constant 1 : i32
    %scan3A_9 = scf.for %scan3A_20 = %scan3A_5 to %scan3A_7 step %scan3A_8 iter_args(%scan3A_21 = %scan3A) -> (i32)  : i32 {
      "tpu.region"() ({
        %run_scoped3A = tpu.sem_alloc : memref<!tpu.dma_semaphore, #tpu.memory_space<semaphore_mem>>
        %dma_start3A = arith.constant 0 : i32
        %dma_start3A_23 = tpu.memref_slice %arg7[%scan3A_20, %dma_start3A] : memref<80x125xi32, #tpu.memory_space<vmem>> -> memref<1x125xi32, #tpu.memory_space<vmem>>
        %dma_start3A_24 = tpu.memref_squeeze %dma_start3A_23 : memref<1x125xi32, #tpu.memory_space<vmem>> -> memref<125xi32, #tpu.memory_space<vmem>>
        %dma_start3A_25 = arith.constant 0 : i32
        %dma_start3A_26 = arith.constant 0 : i32
        %dma_start3A_27 = tpu.memref_slice %arg4[%dma_start3A_25, %dma_start3A_26] : memref<10000x128xf32, #tpu.memory_space<hbm>> -> memref<10000x128xf32, #tpu.memory_space<hbm>>
        tpu.enqueue_indirect_dma source(%dma_start3A_27 : memref<10000x128xf32, #tpu.memory_space<hbm>>) target(%arg9 : memref<125x128xf32, #tpu.memory_space<vmem>>) offsets(%dma_start3A_24 : memref<125xi32, #tpu.memory_space<vmem>>) semaphore(%run_scoped3A : memref<!tpu.dma_semaphore, #tpu.memory_space<semaphore_mem>>)
        %dma_wait3A = arith.constant 0 : i32
        %dma_wait3A_28 = tpu.memref_slice %arg7[%scan3A_20, %dma_wait3A] : memref<80x125xi32, #tpu.memory_space<vmem>> -> memref<1x125xi32, #tpu.memory_space<vmem>>
        %dma_wait3A_29 = tpu.memref_squeeze %dma_wait3A_28 : memref<1x125xi32, #tpu.memory_space<vmem>> -> memref<125xi32, #tpu.memory_space<vmem>>
        %dma_wait3A_30 = arith.constant 0 : i32
        %dma_wait3A_31 = arith.constant 0 : i32
        %dma_wait3A_32 = tpu.memref_slice %arg4[%dma_wait3A_30, %dma_wait3A_31] : memref<10000x128xf32, #tpu.memory_space<hbm>> -> memref<10000x128xf32, #tpu.memory_space<hbm>>
        tpu.wait_indirect_dma semaphore(%run_scoped3A : memref<!tpu.dma_semaphore, #tpu.memory_space<semaphore_mem>>) src(%dma_wait3A_32 : memref<10000x128xf32, #tpu.memory_space<hbm>>) dst(%arg9 : memref<125x128xf32, #tpu.memory_space<vmem>>)
        tpu.yield
      }) : () -> ()
      "tpu.region"() ({
        %run_scoped3A = tpu.sem_alloc : memref<!tpu.dma_semaphore, #tpu.memory_space<semaphore_mem>>
        %dma_start3A = arith.constant 0 : i32
        %dma_start3A_23 = tpu.memref_slice %arg8[%scan3A_20, %dma_start3A] : memref<80x125xi32, #tpu.memory_space<vmem>> -> memref<1x125xi32, #tpu.memory_space<vmem>>
        %dma_start3A_24 = tpu.memref_squeeze %dma_start3A_23 : memref<1x125xi32, #tpu.memory_space<vmem>> -> memref<125xi32, #tpu.memory_space<vmem>>
        %dma_start3A_25 = arith.constant 0 : i32
        %dma_start3A_26 = arith.constant 0 : i32
        %dma_start3A_27 = tpu.memref_slice %arg10[%dma_start3A_25, %dma_start3A_26] : memref<10000x128xf32, #tpu.memory_space<vmem_shared>> -> memref<10000x128xf32, #tpu.memory_space<vmem_shared>>
        tpu.enqueue_indirect_dma source(%arg9 : memref<125x128xf32, #tpu.memory_space<vmem>>) target(%dma_start3A_27 : memref<10000x128xf32, #tpu.memory_space<vmem_shared>>) offsets(%dma_start3A_24 : memref<125xi32, #tpu.memory_space<vmem>>) semaphore(%run_scoped3A : memref<!tpu.dma_semaphore, #tpu.memory_space<semaphore_mem>>) {add = true}
        %dma_wait3A = arith.constant 0 : i32
        %dma_wait3A_28 = tpu.memref_slice %arg8[%scan3A_20, %dma_wait3A] : memref<80x125xi32, #tpu.memory_space<vmem>> -> memref<1x125xi32, #tpu.memory_space<vmem>>
        %dma_wait3A_29 = tpu.memref_squeeze %dma_wait3A_28 : memref<1x125xi32, #tpu.memory_space<vmem>> -> memref<125xi32, #tpu.memory_space<vmem>>
        %dma_wait3A_30 = arith.constant 0 : i32
        %dma_wait3A_31 = arith.constant 0 : i32
        %dma_wait3A_32 = tpu.memref_slice %arg10[%dma_wait3A_30, %dma_wait3A_31] : memref<10000x128xf32, #tpu.memory_space<vmem_shared>> -> memref<10000x128xf32, #tpu.memory_space<vmem_shared>>
        tpu.wait_indirect_dma semaphore(%run_scoped3A : memref<!tpu.dma_semaphore, #tpu.memory_space<semaphore_mem>>) src(%arg9 : memref<125x128xf32, #tpu.memory_space<vmem>>) dst(%dma_wait3A_32 : memref<10000x128xf32, #tpu.memory_space<vmem_shared>>)
        tpu.yield
      }) : () -> ()
      %scan3A_22 = arith.constant 0 : i32
      scf.yield %scan3A_22 : i32
    }
    %scan3A_10 = arith.constant 80 : i32
    %barrier3A_11 = arith.constant 0 : index
    tpu.barrier barrier_id(%barrier3A_11)
    %mul3A_12 = arith.constant 624 : i32
    %mul3A_13 = arith.muli %arg1, %mul3A_12 : i32
    %multiple_of3A_14 = tpu.assume_multiple %mul3A_13, 8 : i32
    "tpu.region"() ({
      %run_scoped3A = tpu.sem_alloc : memref<!tpu.dma_semaphore, #tpu.memory_space<semaphore_mem>>
      %dma_start3A = arith.constant 0 : i32
      %dma_start3A_20 = tpu.memref_slice %arg6[%arg0, %multiple_of3A_14, %dma_start3A] : memref<2x10000x128xf32, #tpu.memory_space<hbm>> -> memref<1x624x128xf32, #tpu.memory_space<hbm>>
      %dma_start3A_21 = tpu.memref_squeeze %dma_start3A_20 : memref<1x624x128xf32, #tpu.memory_space<hbm>> -> memref<624x128xf32, #tpu.memory_space<hbm>>
      %dma_start3A_22 = arith.constant 0 : i32
      %dma_start3A_23 = tpu.memref_slice %arg10[%multiple_of3A_14, %dma_start3A_22] : memref<10000x128xf32, #tpu.memory_space<vmem_shared>> -> memref<624x128xf32, #tpu.memory_space<vmem_shared>>
      tpu.enqueue_dma source(%dma_start3A_23 : memref<624x128xf32, #tpu.memory_space<vmem_shared>>) target(%dma_start3A_21 : memref<624x128xf32, #tpu.memory_space<hbm>>) target_semaphore(%run_scoped3A : memref<!tpu.dma_semaphore, #tpu.memory_space<semaphore_mem>>)
      %dma_wait3A = arith.constant 0 : i32
      %dma_wait3A_24 = tpu.memref_slice %arg6[%arg0, %multiple_of3A_14, %dma_wait3A] : memref<2x10000x128xf32, #tpu.memory_space<hbm>> -> memref<1x624x128xf32, #tpu.memory_space<hbm>>
      %dma_wait3A_25 = tpu.memref_squeeze %dma_wait3A_24 : memref<1x624x128xf32, #tpu.memory_space<hbm>> -> memref<624x128xf32, #tpu.memory_space<hbm>>
      %dma_wait3A_26 = arith.constant 0 : i32
      %dma_wait3A_27 = tpu.memref_slice %arg10[%multiple_of3A_14, %dma_wait3A_26] : memref<10000x128xf32, #tpu.memory_space<vmem_shared>> -> memref<624x128xf32, #tpu.memory_space<vmem_shared>>
      tpu.wait_dma2 semaphore(%run_scoped3A : memref<!tpu.dma_semaphore, #tpu.memory_space<semaphore_mem>>) src(%dma_wait3A_27 : memref<624x128xf32, #tpu.memory_space<vmem_shared>>) dst(%dma_wait3A_25 : memref<624x128xf32, #tpu.memory_space<hbm>>)
      tpu.yield
    }) : () -> ()
    %eq3A_15 = arith.constant 15 : i32
    %eq3A_16 = arith.cmpi eq, %arg1, %eq3A_15 : i32
    %convert_element_type3A_17 = arith.extui %eq3A_16 : i1 to i32
    %cond3A_18 = arith.constant 0 : i32
    %cond3A_19 = arith.cmpi ne, %convert_element_type3A_17, %cond3A_18 : i32
    scf.if %cond3A_19 {
      "tpu.region"() ({
        %run_scoped3A = tpu.sem_alloc : memref<!tpu.dma_semaphore, #tpu.memory_space<semaphore_mem>>
        %dma_start3A = arith.constant 9984 : i32
        %dma_start3A_20 = arith.constant 0 : i32
        %dma_start3A_21 = tpu.memref_slice %arg6[%arg0, %dma_start3A, %dma_start3A_20] : memref<2x10000x128xf32, #tpu.memory_space<hbm>> -> memref<1x16x128xf32, #tpu.memory_space<hbm>>
        %dma_start3A_22 = tpu.memref_squeeze %dma_start3A_21 : memref<1x16x128xf32, #tpu.memory_space<hbm>> -> memref<16x128xf32, #tpu.memory_space<hbm>>
        %dma_start3A_23 = arith.constant 9984 : i32
        %dma_start3A_24 = arith.constant 0 : i32
        %dma_start3A_25 = tpu.memref_slice %arg10[%dma_start3A_23, %dma_start3A_24] : memref<10000x128xf32, #tpu.memory_space<vmem_shared>> -> memref<16x128xf32, #tpu.memory_space<vmem_shared>>
        tpu.enqueue_dma source(%dma_start3A_25 : memref<16x128xf32, #tpu.memory_space<vmem_shared>>) target(%dma_start3A_22 : memref<16x128xf32, #tpu.memory_space<hbm>>) target_semaphore(%run_scoped3A : memref<!tpu.dma_semaphore, #tpu.memory_space<semaphore_mem>>)
        %dma_wait3A = arith.constant 9984 : i32
        %dma_wait3A_26 = arith.constant 0 : i32
        %dma_wait3A_27 = tpu.memref_slice %arg6[%arg0, %dma_wait3A, %dma_wait3A_26] : memref<2x10000x128xf32, #tpu.memory_space<hbm>> -> memref<1x16x128xf32, #tpu.memory_space<hbm>>
        %dma_wait3A_28 = tpu.memref_squeeze %dma_wait3A_27 : memref<1x16x128xf32, #tpu.memory_space<hbm>> -> memref<16x128xf32, #tpu.memory_space<hbm>>
        %dma_wait3A_29 = arith.constant 9984 : i32
        %dma_wait3A_30 = arith.constant 0 : i32
        %dma_wait3A_31 = tpu.memref_slice %arg10[%dma_wait3A_29, %dma_wait3A_30] : memref<10000x128xf32, #tpu.memory_space<vmem_shared>> -> memref<16x128xf32, #tpu.memory_space<vmem_shared>>
        tpu.wait_dma2 semaphore(%run_scoped3A : memref<!tpu.dma_semaphore, #tpu.memory_space<semaphore_mem>>) src(%dma_wait3A_31 : memref<16x128xf32, #tpu.memory_space<vmem_shared>>) dst(%dma_wait3A_28 : memref<16x128xf32, #tpu.memory_space<hbm>>)
        tpu.yield
      }) : () -> ()
    } else {
    }
    return
  }
}

module attributes {stable_mosaic.version = 14 : i64} {
  func.func @_mm_body(%arg0: i32, %arg1: memref<1000x128xf32, #tpu.memory_space<vmem>>, %arg2: memref<128x128xf32, #tpu.memory_space<vmem>>, %arg3: memref<1000x128xf32, #tpu.memory_space<vmem>>) attributes {dimension_semantics = [#tpu.dimension_semantics<arbitrary>], iteration_bounds = array<i64: 10>, scalar_prefetch = 0 : i64, scratch_operands = 0 : i64, tpu.core_type = #tpu.core_type<tc>, window_params = [{transform_indices = @transform_0, window_bounds = array<i64: 1000, 128>}, {pipeline_mode = #tpu.pipeline_mode<synchronous>, transform_indices = @transform_1, window_bounds = array<i64: 128, 128>}, {transform_indices = @transform_2, window_bounds = array<i64: 1000, 128>}]} {
    %get3A = arith.constant 0 : index
    %get3A_0 = arith.constant 0 : index
    %get3A_1 = vector.load %arg1[%get3A, %get3A_0] : memref<1000x128xf32, #tpu.memory_space<vmem>>, vector<1000x128xf32>
    %get3A_2 = arith.constant 0 : index
    %get3A_3 = arith.constant 0 : index
    %get3A_4 = vector.load %arg2[%get3A_2, %get3A_3] : memref<128x128xf32, #tpu.memory_space<vmem>>, vector<128x128xf32>
    %dot_general3A = arith.constant dense<0.000000e+00> : vector<1000x128xf32>
    %dot_general3A_5 = tpu.matmul %get3A_1, %get3A_4, %dot_general3A {dimension_numbers = #tpu.dot_dimension_numbers<[1], [0], [0], [1], [0, 0, 1, 1], [], []>, transpose_lhs_hint = false} : vector<1000x128xf32>, vector<128x128xf32>, vector<1000x128xf32> -> vector<1000x128xf32>
    %swap3A = arith.constant 0 : index
    %swap3A_6 = arith.constant 0 : index
    %swap3A_7 = vector.load %arg3[%swap3A, %swap3A_6] : memref<1000x128xf32, #tpu.memory_space<vmem>>, vector<1000x128xf32>
    tpu.vector_store %arg3[%swap3A, %swap3A_6], %dot_general3A_5 {strides = array<i32>} : memref<1000x128xf32, #tpu.memory_space<vmem>>, vector<1000x128xf32>,
    return
  }
  func.func @transform_0(%arg0: i32) -> (i32, i32) {
    %c0_i32 = arith.constant 0 : i32
    %c0_i32_0 = arith.constant 0 : i32
    return %arg0, %c0_i32 : i32, i32
  }
  func.func @transform_1(%arg0: i32) -> (i32, i32) {
    %c0_i32 = arith.constant 0 : i32
    %c0_i32_0 = arith.constant 0 : i32
    %c0_i32_1 = arith.constant 0 : i32
    return %c0_i32, %c0_i32_0 : i32, i32
  }
  func.func @transform_2(%arg0: i32) -> (i32, i32) {
    %c0_i32 = arith.constant 0 : i32
    %c0_i32_0 = arith.constant 0 : i32
    return %arg0, %c0_i32 : i32, i32
  }
}

module attributes {stable_mosaic.version = 14 : i64} {
  func.func @_scale_body(%arg0: i32, %arg1: memref<1000x128xf32, #tpu.memory_space<vmem>>, %arg2: memref<1x32x1000xi32, #tpu.memory_space<vmem>>, %arg3: memref<1000x128xf32, #tpu.memory_space<vmem>>) attributes {dimension_semantics = [#tpu.dimension_semantics<arbitrary>], iteration_bounds = array<i64: 10>, scalar_prefetch = 0 : i64, scratch_operands = 0 : i64, tpu.core_type = #tpu.core_type<tc>, window_params = [{transform_indices = @transform_0, window_bounds = array<i64: 1000, 128>}, {transform_indices = @transform_1, window_bounds = array<i64: 1, 32, 1000>}, {transform_indices = @transform_2, window_bounds = array<i64: 1000, 128>}]} {
    %get3A = arith.constant 0 : index
    %get3A_0 = arith.constant 0 : index
    %get3A_1 = vector.load %arg1[%get3A, %get3A_0] : memref<1000x128xf32, #tpu.memory_space<vmem>>, vector<1000x128xf32>
    %get3A_2 = arith.constant 0 : index
    %get3A_3 = arith.constant 0 : index
    %get3A_4 = arith.constant 0 : index
    %get3A_5 = vector.load %arg2[%get3A_2, %get3A_3, %get3A_4] : memref<1x32x1000xi32, #tpu.memory_space<vmem>>, vector<1x32x1000xi32>
    %get3A_6 = vector.shape_cast %get3A_5 : vector<1x32x1000xi32> to vector<32x1000xi32>
    %convert_element_type3A = arith.sitofp %get3A_6 : vector<32x1000xi32> to vector<32x1000xf32>
    %broadcast_in_dim3A = arith.constant 1.000000e+00 : f32
    %broadcast_in_dim3A_7 = vector.broadcast %broadcast_in_dim3A : f32 to vector<32x1xf32>
    %dot_general3A = arith.constant dense<0.000000e+00> : vector<1000x1xf32>
    %dot_general3A_8 = tpu.matmul %convert_element_type3A, %broadcast_in_dim3A_7, %dot_general3A {dimension_numbers = #tpu.dot_dimension_numbers<[0], [0], [1], [1], [0, 1, 1, 1], [], []>, transpose_lhs_hint = false} : vector<32x1000xf32>, vector<32x1xf32>, vector<1000x1xf32> -> vector<1000x1xf32>
    %add3A = arith.constant 1.000000e+00 : f32
    %add3A_9 = vector.broadcast %add3A : f32 to vector<1000x1xf32>
    %add3A_10 = arith.addf %dot_general3A_8, %add3A_9 : vector<1000x1xf32>
    %rsqrt3A = math.rsqrt %add3A_10 : vector<1000x1xf32>
    %mul3A = vector.broadcast %rsqrt3A : vector<1000x1xf32> to vector<1000x128xf32>
    %mul3A_11 = arith.mulf %get3A_1, %mul3A : vector<1000x128xf32>
    %swap3A = arith.constant 0 : index
    %swap3A_12 = arith.constant 0 : index
    %swap3A_13 = vector.load %arg3[%swap3A, %swap3A_12] : memref<1000x128xf32, #tpu.memory_space<vmem>>, vector<1000x128xf32>
    tpu.vector_store %arg3[%swap3A, %swap3A_12], %mul3A_11 {strides = array<i32>} : memref<1000x128xf32, #tpu.memory_space<vmem>>, vector<1000x128xf32>,
    return
  }
  func.func @transform_0(%arg0: i32) -> (i32, i32) {
    %c0_i32 = arith.constant 0 : i32
    %c0_i32_0 = arith.constant 0 : i32
    return %arg0, %c0_i32 : i32, i32
  }
  func.func @transform_1(%arg0: i32) -> (i32, i32, i32) {
    %c0_i32 = arith.constant 0 : i32
    %c0_i32_0 = arith.constant 0 : i32
    %c0_i32_1 = arith.constant 0 : i32
    return %arg0, %c0_i32, %c0_i32_0 : i32, i32, i32
  }
  func.func @transform_2(%arg0: i32) -> (i32, i32) {
    %c0_i32 = arith.constant 0 : i32
    %c0_i32_0 = arith.constant 0 : i32
    return %arg0, %c0_i32 : i32, i32
  }
}

module attributes {stable_mosaic.version = 14 : i64} {
  func.func @_fuse_body(%arg0: i32, %arg1: memref<2x1000x128xf32, #tpu.memory_space<vmem>>, %arg2: memref<1000x128xf32, #tpu.memory_space<vmem>>, %arg3: memref<1x32x1000xi32, #tpu.memory_space<vmem>>, %arg4: memref<1x128xf32, #tpu.memory_space<vmem>>, %arg5: memref<128x128xf32, #tpu.memory_space<vmem>>, %arg6: memref<1000x128xf32, #tpu.memory_space<vmem>>) attributes {dimension_semantics = [#tpu.dimension_semantics<arbitrary>], iteration_bounds = array<i64: 10>, scalar_prefetch = 0 : i64, scratch_operands = 0 : i64, tpu.core_type = #tpu.core_type<tc>, window_params = [{transform_indices = @transform_0, window_bounds = array<i64: 2, 1000, 128>}, {transform_indices = @transform_1, window_bounds = array<i64: 1000, 128>}, {transform_indices = @transform_2, window_bounds = array<i64: 1, 32, 1000>}, {pipeline_mode = #tpu.pipeline_mode<synchronous>, transform_indices = @transform_3, window_bounds = array<i64: 1, 128>}, {pipeline_mode = #tpu.pipeline_mode<synchronous>, transform_indices = @transform_4, window_bounds = array<i64: 128, 128>}, {transform_indices = @transform_5, window_bounds = array<i64: 1000, 128>}]} {
    %get3A = arith.constant 0 : index
    %get3A_0 = arith.constant 0 : index
    %get3A_1 = arith.constant 0 : index
    %get3A_2 = vector.load %arg3[%get3A, %get3A_0, %get3A_1] : memref<1x32x1000xi32, #tpu.memory_space<vmem>>, vector<1x32x1000xi32>
    %get3A_3 = vector.shape_cast %get3A_2 : vector<1x32x1000xi32> to vector<32x1000xi32>
    %convert_element_type3A = arith.sitofp %get3A_3 : vector<32x1000xi32> to vector<32x1000xf32>
    %broadcast_in_dim3A = arith.constant 1.000000e+00 : f32
    %broadcast_in_dim3A_4 = vector.broadcast %broadcast_in_dim3A : f32 to vector<32x1xf32>
    %dot_general3A = arith.constant dense<0.000000e+00> : vector<1000x1xf32>
    %dot_general3A_5 = tpu.matmul %convert_element_type3A, %broadcast_in_dim3A_4, %dot_general3A {dimension_numbers = #tpu.dot_dimension_numbers<[0], [0], [1], [1], [0, 1, 1, 1], [], []>, transpose_lhs_hint = false} : vector<32x1000xf32>, vector<32x1xf32>, vector<1000x1xf32> -> vector<1000x1xf32>
    %add3A = arith.constant 1.000000e+00 : f32
    %add3A_6 = vector.broadcast %add3A : f32 to vector<1000x1xf32>
    %add3A_7 = arith.addf %dot_general3A_5, %add3A_6 : vector<1000x1xf32>
    %rsqrt3A = math.rsqrt %add3A_7 : vector<1000x1xf32>
    %get3A_8 = arith.constant 0 : index
    %get3A_9 = arith.constant 0 : index
    %get3A_10 = arith.constant 0 : index
    %get3A_11 = vector.load %arg1[%get3A_8, %get3A_9, %get3A_10] : memref<2x1000x128xf32, #tpu.memory_space<vmem>>, vector<1x1000x128xf32>
    %get3A_12 = vector.shape_cast %get3A_11 : vector<1x1000x128xf32> to vector<1000x128xf32>
    %get3A_13 = arith.constant 1 : index
    %get3A_14 = arith.constant 0 : index
    %get3A_15 = arith.constant 0 : index
    %get3A_16 = vector.load %arg1[%get3A_13, %get3A_14, %get3A_15] : memref<2x1000x128xf32, #tpu.memory_space<vmem>>, vector<1x1000x128xf32>
    %get3A_17 = vector.shape_cast %get3A_16 : vector<1x1000x128xf32> to vector<1000x128xf32>
    %add3A_18 = arith.addf %get3A_12, %get3A_17 : vector<1000x128xf32>
    %get3A_19 = arith.constant 0 : index
    %get3A_20 = arith.constant 0 : index
    %get3A_21 = vector.load %arg2[%get3A_19, %get3A_20] : memref<1000x128xf32, #tpu.memory_space<vmem>>, vector<1000x128xf32>
    %add3A_22 = arith.addf %add3A_18, %get3A_21 : vector<1000x128xf32>
    %mul3A = vector.broadcast %rsqrt3A : vector<1000x1xf32> to vector<1000x128xf32>
    %mul3A_23 = arith.mulf %add3A_22, %mul3A : vector<1000x128xf32>
    %get3A_24 = arith.constant 0 : index
    %get3A_25 = arith.constant 0 : index
    %get3A_26 = vector.load %arg4[%get3A_24, %get3A_25] : memref<1x128xf32, #tpu.memory_space<vmem>>, vector<1x128xf32>
    %add3A_27 = vector.broadcast %get3A_26 : vector<1x128xf32> to vector<1000x128xf32>
    %add3A_28 = arith.addf %mul3A_23, %add3A_27 : vector<1000x128xf32>
    %max3A = arith.constant 0.000000e+00 : f32
    %max3A_29 = vector.broadcast %max3A : f32 to vector<1000x128xf32>
    %max3A_30 = arith.maximumf %add3A_28, %max3A_29 : vector<1000x128xf32>
    %get3A_31 = arith.constant 0 : index
    %get3A_32 = arith.constant 0 : index
    %get3A_33 = vector.load %arg5[%get3A_31, %get3A_32] : memref<128x128xf32, #tpu.memory_space<vmem>>, vector<128x128xf32>
    %dot_general3A_34 = arith.constant dense<0.000000e+00> : vector<1000x128xf32>
    %dot_general3A_35 = tpu.matmul %max3A_30, %get3A_33, %dot_general3A_34 {dimension_numbers = #tpu.dot_dimension_numbers<[1], [0], [0], [1], [0, 0, 1, 1], [], []>, transpose_lhs_hint = false} : vector<1000x128xf32>, vector<128x128xf32>, vector<1000x128xf32> -> vector<1000x128xf32>
    %mul3A_36 = vector.broadcast %rsqrt3A : vector<1000x1xf32> to vector<1000x128xf32>
    %mul3A_37 = arith.mulf %dot_general3A_35, %mul3A_36 : vector<1000x128xf32>
    %swap3A = arith.constant 0 : index
    %swap3A_38 = arith.constant 0 : index
    %swap3A_39 = vector.load %arg6[%swap3A, %swap3A_38] : memref<1000x128xf32, #tpu.memory_space<vmem>>, vector<1000x128xf32>
    tpu.vector_store %arg6[%swap3A, %swap3A_38], %mul3A_37 {strides = array<i32>} : memref<1000x128xf32, #tpu.memory_space<vmem>>, vector<1000x128xf32>,
    return
  }
  func.func @transform_0(%arg0: i32) -> (i32, i32, i32) {
    %c0_i32 = arith.constant 0 : i32
    %c0_i32_0 = arith.constant 0 : i32
    %c0_i32_1 = arith.constant 0 : i32
    return %c0_i32, %arg0, %c0_i32_0 : i32, i32, i32
  }
  func.func @transform_1(%arg0: i32) -> (i32, i32) {
    %c0_i32 = arith.constant 0 : i32
    %c0_i32_0 = arith.constant 0 : i32
    return %arg0, %c0_i32 : i32, i32
  }
  func.func @transform_2(%arg0: i32) -> (i32, i32, i32) {
    %c0_i32 = arith.constant 0 : i32
    %c0_i32_0 = arith.constant 0 : i32
    %c0_i32_1 = arith.constant 0 : i32
    return %arg0, %c0_i32, %c0_i32_0 : i32, i32, i32
  }
  func.func @transform_3(%arg0: i32) -> (i32, i32) {
    %c0_i32 = arith.constant 0 : i32
    %c0_i32_0 = arith.constant 0 : i32
    %c0_i32_1 = arith.constant 0 : i32
    return %c0_i32, %c0_i32_0 : i32, i32
  }
  func.func @transform_4(%arg0: i32) -> (i32, i32) {
    %c0_i32 = arith.constant 0 : i32
    %c0_i32_0 = arith.constant 0 : i32
    %c0_i32_1 = arith.constant 0 : i32
    return %c0_i32, %c0_i32_0 : i32, i32
  }
  func.func @transform_5(%arg0: i32) -> (i32, i32) {
    %c0_i32 = arith.constant 0 : i32
    %c0_i32_0 = arith.constant 0 : i32
    return %arg0, %c0_i32 : i32, i32
  }
}

module attributes {stable_mosaic.version = 14 : i64} {
  func.func @_pool_body(%arg0: i32, %arg1: memref<2x1000x128xf32, #tpu.memory_space<vmem>>, %arg2: memref<1000x128xf32, #tpu.memory_space<vmem>>, %arg3: memref<1x32x1000xi32, #tpu.memory_space<vmem>>, %arg4: memref<1x128xf32, #tpu.memory_space<vmem>>, %arg5: memref<1000x1xi32, #tpu.memory_space<vmem>>, %arg6: memref<128x128xf32, #tpu.memory_space<vmem>>, %arg7: memref<1x128xf32, #tpu.memory_space<vmem>>, %arg8: memref<128x128xf32, #tpu.memory_space<vmem>>, %arg9: memref<128x128xf32, #tpu.memory_space<vmem>>, %arg10: memref<128x128xf32, #tpu.memory_space<vmem>>) attributes {dimension_semantics = [#tpu.dimension_semantics<arbitrary>], iteration_bounds = array<i64: 10>, scalar_prefetch = 0 : i64, scratch_operands = 2 : i64, tpu.core_type = #tpu.core_type<tc>, window_params = [{transform_indices = @transform_0, window_bounds = array<i64: 2, 1000, 128>}, {transform_indices = @transform_1, window_bounds = array<i64: 1000, 128>}, {transform_indices = @transform_2, window_bounds = array<i64: 1, 32, 1000>}, {pipeline_mode = #tpu.pipeline_mode<synchronous>, transform_indices = @transform_3, window_bounds = array<i64: 1, 128>}, {transform_indices = @transform_4, window_bounds = array<i64: 1000, 1>}, {pipeline_mode = #tpu.pipeline_mode<synchronous>, transform_indices = @transform_5, window_bounds = array<i64: 128, 128>}, {pipeline_mode = #tpu.pipeline_mode<synchronous>, transform_indices = @transform_6, window_bounds = array<i64: 1, 128>}, {pipeline_mode = #tpu.pipeline_mode<synchronous>, transform_indices = @transform_7, window_bounds = array<i64: 128, 128>}]} {
    %eq3A = arith.constant 0 : i32
    %eq3A_0 = arith.cmpi eq, %arg0, %eq3A : i32
    %convert_element_type3A = arith.extui %eq3A_0 : i1 to i32
    %cond3A = arith.constant 0 : i32
    %cond3A_1 = arith.cmpi ne, %convert_element_type3A, %cond3A : i32
    scf.if %cond3A_1 {
      %broadcast_in_dim3A_65 = arith.constant 0.000000e+00 : f32
      %broadcast_in_dim3A_66 = vector.broadcast %broadcast_in_dim3A_65 : f32 to vector<128x128xf32>
      %swap3A_67 = arith.constant 0 : index
      %swap3A_68 = arith.constant 0 : index
      %swap3A_69 = vector.load %arg9[%swap3A_67, %swap3A_68] : memref<128x128xf32, #tpu.memory_space<vmem>>, vector<128x128xf32>
      tpu.vector_store %arg9[%swap3A_67, %swap3A_68], %broadcast_in_dim3A_66 {strides = array<i32>} : memref<128x128xf32, #tpu.memory_space<vmem>>, vector<128x128xf32>,
      %broadcast_in_dim3A_70 = arith.constant 0.000000e+00 : f32
      %broadcast_in_dim3A_71 = vector.broadcast %broadcast_in_dim3A_70 : f32 to vector<128x128xf32>
      %swap3A_72 = arith.constant 0 : index
      %swap3A_73 = arith.constant 0 : index
      %swap3A_74 = vector.load %arg10[%swap3A_72, %swap3A_73] : memref<128x128xf32, #tpu.memory_space<vmem>>, vector<128x128xf32>
      tpu.vector_store %arg10[%swap3A_72, %swap3A_73], %broadcast_in_dim3A_71 {strides = array<i32>} : memref<128x128xf32, #tpu.memory_space<vmem>>, vector<128x128xf32>,
    } else {
    }
    %get3A = arith.constant 0 : index
    %get3A_2 = arith.constant 0 : index
    %get3A_3 = arith.constant 0 : index
    %get3A_4 = vector.load %arg3[%get3A, %get3A_2, %get3A_3] : memref<1x32x1000xi32, #tpu.memory_space<vmem>>, vector<1x32x1000xi32>
    %get3A_5 = vector.shape_cast %get3A_4 : vector<1x32x1000xi32> to vector<32x1000xi32>
    %convert_element_type3A_6 = arith.sitofp %get3A_5 : vector<32x1000xi32> to vector<32x1000xf32>
    %broadcast_in_dim3A = arith.constant 1.000000e+00 : f32
    %broadcast_in_dim3A_7 = vector.broadcast %broadcast_in_dim3A : f32 to vector<32x1xf32>
    %dot_general3A = arith.constant dense<0.000000e+00> : vector<1000x1xf32>
    %dot_general3A_8 = tpu.matmul %convert_element_type3A_6, %broadcast_in_dim3A_7, %dot_general3A {dimension_numbers = #tpu.dot_dimension_numbers<[0], [0], [1], [1], [0, 1, 1, 1], [], []>, transpose_lhs_hint = false} : vector<32x1000xf32>, vector<32x1xf32>, vector<1000x1xf32> -> vector<1000x1xf32>
    %add3A = arith.constant 1.000000e+00 : f32
    %add3A_9 = vector.broadcast %add3A : f32 to vector<1000x1xf32>
    %add3A_10 = arith.addf %dot_general3A_8, %add3A_9 : vector<1000x1xf32>
    %rsqrt3A = math.rsqrt %add3A_10 : vector<1000x1xf32>
    %get3A_11 = arith.constant 0 : index
    %get3A_12 = arith.constant 0 : index
    %get3A_13 = arith.constant 0 : index
    %get3A_14 = vector.load %arg1[%get3A_11, %get3A_12, %get3A_13] : memref<2x1000x128xf32, #tpu.memory_space<vmem>>, vector<1x1000x128xf32>
    %get3A_15 = vector.shape_cast %get3A_14 : vector<1x1000x128xf32> to vector<1000x128xf32>
    %get3A_16 = arith.constant 1 : index
    %get3A_17 = arith.constant 0 : index
    %get3A_18 = arith.constant 0 : index
    %get3A_19 = vector.load %arg1[%get3A_16, %get3A_17, %get3A_18] : memref<2x1000x128xf32, #tpu.memory_space<vmem>>, vector<1x1000x128xf32>
    %get3A_20 = vector.shape_cast %get3A_19 : vector<1x1000x128xf32> to vector<1000x128xf32>
    %add3A_21 = arith.addf %get3A_15, %get3A_20 : vector<1000x128xf32>
    %get3A_22 = arith.constant 0 : index
    %get3A_23 = arith.constant 0 : index
    %get3A_24 = vector.load %arg2[%get3A_22, %get3A_23] : memref<1000x128xf32, #tpu.memory_space<vmem>>, vector<1000x128xf32>
    %add3A_25 = arith.addf %add3A_21, %get3A_24 : vector<1000x128xf32>
    %mul3A = vector.broadcast %rsqrt3A : vector<1000x1xf32> to vector<1000x128xf32>
    %mul3A_26 = arith.mulf %add3A_25, %mul3A : vector<1000x128xf32>
    %get3A_27 = arith.constant 0 : index
    %get3A_28 = arith.constant 0 : index
    %get3A_29 = vector.load %arg4[%get3A_27, %get3A_28] : memref<1x128xf32, #tpu.memory_space<vmem>>, vector<1x128xf32>
    %add3A_30 = vector.broadcast %get3A_29 : vector<1x128xf32> to vector<1000x128xf32>
    %add3A_31 = arith.addf %mul3A_26, %add3A_30 : vector<1000x128xf32>
    %max3A = arith.constant 0.000000e+00 : f32
    %max3A_32 = vector.broadcast %max3A : f32 to vector<1000x128xf32>
    %max3A_33 = arith.maximumf %add3A_31, %max3A_32 : vector<1000x128xf32>
    %iota3A = tpu.iota {dimensions = array<i32: 1>} : vector<1000x128xi32>
    %get3A_34 = arith.constant 0 : index
    %get3A_35 = arith.constant 0 : index
    %get3A_36 = vector.load %arg5[%get3A_34, %get3A_35] : memref<1000x1xi32, #tpu.memory_space<vmem>>, vector<1000x1xi32>
    %eq3A_37 = vector.broadcast %get3A_36 : vector<1000x1xi32> to vector<1000x128xi32>
    %eq3A_38 = arith.cmpi eq, %eq3A_37, %iota3A : vector<1000x128xi32>
    %convert_element_type3A_39 = arith.extui %eq3A_38 : vector<1000x128xi1> to vector<1000x128xi32>
    %convert_element_type3A_40 = arith.sitofp %convert_element_type3A_39 : vector<1000x128xi32> to vector<1000x128xf32>
    %get3A_41 = arith.constant 0 : index
    %get3A_42 = arith.constant 0 : index
    %get3A_43 = vector.load %arg9[%get3A_41, %get3A_42] : memref<128x128xf32, #tpu.memory_space<vmem>>, vector<128x128xf32>
    %dot_general3A_44 = arith.constant dense<0.000000e+00> : vector<128x128xf32>
    %dot_general3A_45 = tpu.matmul %convert_element_type3A_40, %max3A_33, %dot_general3A_44 {dimension_numbers = #tpu.dot_dimension_numbers<[0], [0], [1], [1], [0, 1, 1, 1], [], []>, transpose_lhs_hint = false} : vector<1000x128xf32>, vector<1000x128xf32>, vector<128x128xf32> -> vector<128x128xf32>
    %add3A_46 = arith.addf %get3A_43, %dot_general3A_45 : vector<128x128xf32>
    %swap3A = arith.constant 0 : index
    %swap3A_47 = arith.constant 0 : index
    %swap3A_48 = vector.load %arg9[%swap3A, %swap3A_47] : memref<128x128xf32, #tpu.memory_space<vmem>>, vector<128x128xf32>
    tpu.vector_store %arg9[%swap3A, %swap3A_47], %add3A_46 {strides = array<i32>} : memref<128x128xf32, #tpu.memory_space<vmem>>, vector<128x128xf32>,
    %get3A_49 = arith.constant 0 : index
    %get3A_50 = arith.constant 0 : index
    %get3A_51 = vector.load %arg10[%get3A_49, %get3A_50] : memref<128x128xf32, #tpu.memory_space<vmem>>, vector<128x128xf32>
    %broadcast_in_dim3A_52 = arith.constant 1.000000e+00 : f32
    %broadcast_in_dim3A_53 = vector.broadcast %broadcast_in_dim3A_52 : f32 to vector<1000x128xf32>
    %dot_general3A_54 = arith.constant dense<0.000000e+00> : vector<128x128xf32>
    %dot_general3A_55 = tpu.matmul %convert_element_type3A_40, %broadcast_in_dim3A_53, %dot_general3A_54 {dimension_numbers = #tpu.dot_dimension_numbers<[0], [0], [1], [1], [0, 1, 1, 1], [], []>, transpose_lhs_hint = false} : vector<1000x128xf32>, vector<1000x128xf32>, vector<128x128xf32> -> vector<128x128xf32>
    %add3A_56 = arith.addf %get3A_51, %dot_general3A_55 : vector<128x128xf32>
    %swap3A_57 = arith.constant 0 : index
    %swap3A_58 = arith.constant 0 : index
    %swap3A_59 = vector.load %arg10[%swap3A_57, %swap3A_58] : memref<128x128xf32, #tpu.memory_space<vmem>>, vector<128x128xf32>
    tpu.vector_store %arg10[%swap3A_57, %swap3A_58], %add3A_56 {strides = array<i32>} : memref<128x128xf32, #tpu.memory_space<vmem>>, vector<128x128xf32>,
    %eq3A_60 = arith.constant 9 : i32
    %eq3A_61 = arith.cmpi eq, %arg0, %eq3A_60 : i32
    %convert_element_type3A_62 = arith.extui %eq3A_61 : i1 to i32
    %cond3A_63 = arith.constant 0 : i32
    %cond3A_64 = arith.cmpi ne, %convert_element_type3A_62, %cond3A_63 : i32
    scf.if %cond3A_64 {
      %get3A_65 = arith.constant 0 : index
      %get3A_66 = arith.constant 0 : index
      %get3A_67 = vector.load %arg9[%get3A_65, %get3A_66] : memref<128x128xf32, #tpu.memory_space<vmem>>, vector<128x128xf32>
      %get3A_68 = arith.constant 0 : index
      %get3A_69 = arith.constant 0 : index
      %get3A_70 = vector.load %arg10[%get3A_68, %get3A_69] : memref<128x128xf32, #tpu.memory_space<vmem>>, vector<128x128xf32>
      %max3A_71 = arith.constant 1.000000e+00 : f32
      %max3A_72 = vector.broadcast %max3A_71 : f32 to vector<128x128xf32>
      %max3A_73 = arith.maximumf %get3A_70, %max3A_72 : vector<128x128xf32>
      %div3A = arith.divf %get3A_67, %max3A_73 : vector<128x128xf32>
      %get3A_74 = arith.constant 0 : index
      %get3A_75 = arith.constant 0 : index
      %get3A_76 = vector.load %arg6[%get3A_74, %get3A_75] : memref<128x128xf32, #tpu.memory_space<vmem>>, vector<128x128xf32>
      %dot_general3A_77 = arith.constant dense<0.000000e+00> : vector<128x128xf32>
      %dot_general3A_78 = tpu.matmul %div3A, %get3A_76, %dot_general3A_77 {dimension_numbers = #tpu.dot_dimension_numbers<[1], [0], [0], [1], [0, 0, 1, 1], [], []>, transpose_lhs_hint = false} : vector<128x128xf32>, vector<128x128xf32>, vector<128x128xf32> -> vector<128x128xf32>
      %get3A_79 = arith.constant 0 : index
      %get3A_80 = arith.constant 0 : index
      %get3A_81 = vector.load %arg7[%get3A_79, %get3A_80] : memref<1x128xf32, #tpu.memory_space<vmem>>, vector<1x128xf32>
      %add3A_82 = vector.broadcast %get3A_81 : vector<1x128xf32> to vector<128x128xf32>
      %add3A_83 = arith.addf %dot_general3A_78, %add3A_82 : vector<128x128xf32>
      %swap3A_84 = arith.constant 0 : index
      %swap3A_85 = arith.constant 0 : index
      %swap3A_86 = vector.load %arg8[%swap3A_84, %swap3A_85] : memref<128x128xf32, #tpu.memory_space<vmem>>, vector<128x128xf32>
      tpu.vector_store %arg8[%swap3A_84, %swap3A_85], %add3A_83 {strides = array<i32>} : memref<128x128xf32, #tpu.memory_space<vmem>>, vector<128x128xf32>,
    } else {
    }
    return
  }
  func.func @transform_0(%arg0: i32) -> (i32, i32, i32) {
    %c0_i32 = arith.constant 0 : i32
    %c0_i32_0 = arith.constant 0 : i32
    %c0_i32_1 = arith.constant 0 : i32
    return %c0_i32, %arg0, %c0_i32_0 : i32, i32, i32
  }
  func.func @transform_1(%arg0: i32) -> (i32, i32) {
    %c0_i32 = arith.constant 0 : i32
    %c0_i32_0 = arith.constant 0 : i32
    return %arg0, %c0_i32 : i32, i32
  }
  func.func @transform_2(%arg0: i32) -> (i32, i32, i32) {
    %c0_i32 = arith.constant 0 : i32
    %c0_i32_0 = arith.constant 0 : i32
    %c0_i32_1 = arith.constant 0 : i32
    return %arg0, %c0_i32, %c0_i32_0 : i32, i32, i32
  }
  func.func @transform_3(%arg0: i32) -> (i32, i32) {
    %c0_i32 = arith.constant 0 : i32
    %c0_i32_0 = arith.constant 0 : i32
    %c0_i32_1 = arith.constant 0 : i32
    return %c0_i32, %c0_i32_0 : i32, i32
  }
  func.func @transform_4(%arg0: i32) -> (i32, i32) {
    %c0_i32 = arith.constant 0 : i32
    %c0_i32_0 = arith.constant 0 : i32
    return %arg0, %c0_i32 : i32, i32
  }
  func.func @transform_5(%arg0: i32) -> (i32, i32) {
    %c0_i32 = arith.constant 0 : i32
    %c0_i32_0 = arith.constant 0 : i32
    %c0_i32_1 = arith.constant 0 : i32
    return %c0_i32, %c0_i32_0 : i32, i32
  }
  func.func @transform_6(%arg0: i32) -> (i32, i32) {
    %c0_i32 = arith.constant 0 : i32
    %c0_i32_0 = arith.constant 0 : i32
    %c0_i32_1 = arith.constant 0 : i32
    return %c0_i32, %c0_i32_0 : i32, i32
  }
  func.func @transform_7(%arg0: i32) -> (i32, i32) {
    %c0_i32 = arith.constant 0 : i32
    %c0_i32_0 = arith.constant 0 : i32
    %c0_i32_1 = arith.constant 0 : i32
    return %c0_i32, %c0_i32_0 : i32, i32
  }
}

</mosaic_0001>

<sc_bundles>
// kernel: kernel.12.cloned.1.call-start
scs
__scs_entry_jumppad:
0x0: {  	(pc) =	sbr.rel $0x88, $3  }
0x1: {  	(tag) =	ssettag $0x0;
	lr =	simm.s32 $0x1  }
0x2: {  	[smem:$0x3F98] =	sst lr;
	_ =	strace $0xD0000000  }
0x3: {  	_ = 	snop  }
0x4: {  	_ = 	snop  }
0x5: {  	_ = 	snop  }
0x6: {  	_ = 	snop  }
0x7: {  	_ = 	snop  }
__scs_overlays_trampoline_lowered:
0x8: {  	[smem:$0x3FA7] =	sst s0  }
0x9: {  	[smem:$0x3FA8] =	sst s1  }
0xa: {  	[smem:$0x3FA9] =	sst s2  }
0xb: {  	[smem:$0x3FAA] =	sst s3  }
0xc: {  	[smem:$0x3FAB] =	sst s4  }
0xd: {  	[smem:$0x3FAC] =	sst s5  }
0xe: {  	[smem:$0x3FAD] =	sst s6  }
0xf: {  	[smem:$0x3FAE] =	sst s7  }
0x10: {  	[smem:$0x3FAF] =	sst s8  }
0x11: {  	[smem:$0x3FB0] =	sst s9;
	s0 =	simm.s32 @!p0 $0x0  }
0x12: {  	s1 =	sld [smem:$0x3F96];
	s0 =	simm.s32 @p0 $0x1  }
0x13: {  	[smem:$0x3FB1] =	sst s0;
	s0 =	simm.s32 @!p1 $0x0  }
0x14: {  	s2 =	sld [smem:$0x3F95];
	s0 =	simm.s32 @p1 $0x1  }
0x15: {  	[smem:$0x3FB2] =	sst s0;
	s0 =	simm.s32 @!p2 $0x0  }
0x16: {  	s3 =	sld [smem:$0x3FDB];
	s0 =	simm.s32 @p2 $0x1  }
0x17: {  	s4 =	simm.s32 $0x1BF5;
	[smem:$0x3FB4] =	sst s0  }
0x18: {  	s0 =	sld [smem:$0x3F97];
	_ =	swait.ge [sflag:s4], $0x0  }
0x19: {  	s7 =	sld [smem:$0x3F98]  }
0x1a: {  	s8 =	sadd.s32 $0xFFFFE003, lr  }
0x1b: {  	s9 =	sadd.s32 $0xFFFFFEF7, lr;
	s5 =	simm.s32 $0xFFFFFFFF;
	p2 =	slt.u32 s8, $0xFFFFF086  }
0x1c: {  	p1 =	slt.u32 s9, $0xF7A;
	s5 =	simm.s32 @!p2 $0x0  }
0x1d: {  	s5 =	simm.s32 @p1 $0x1;
	p0 =	seq.s32 s7, s2  }
0x1e: {  	s7 =	smul.u32 @!p0 $0xF7A, s2;
	p2 =	seq.s32 @!p0 s5, $0x0  }
0x1f: {  	s9 =	smul.u32 $0xF7A, s1;
	s8 =	simm.s32 @!p0 $0x1BF5;
	p2 =	por !p2, p0  }
0x20: {  	[sflag:s8] =	ssyncset.s32 @!p0 $0xFFFFF086;
	s6 =	sadd.s32 @!p0 s3, s7;
	s7 =	simm.s32 @!p0 $0x108  }
0x21: {  	s3 =	sadd.s32 s3, s9;
	s6 =	sadd.s32 @!p0 $0x88, s6;
	s7 =	simm.s32 @p2 $0x1082  }
0x22: {  	[simem:s7], [sflag:s8] =	dma.local @!p0 [hbm:s6], $0xF7A  }
0x23: {  	s9 =	sor.u32 $0xD0000000, s2;
	s6 =	simm.s32 $0x108;
	_ =	swait.ge @!p0 [sflag:s8], $0x0  }
0x24: {  	s3 =	sadd.s32 $0x88, s3;
	s6 =	simm.s32 @!p1 $0x1082;
	[sflag:s4] =	ssyncset.s32 $0xFFFFF086  }
0x25: {  	[simem:s6], [sflag:s4] =	dma.local [hbm:s3], $0xF7A  }
0x26: {  	[smem:$0x3F98] =	sst s1;
	(tag) =	ssettag s2;
	_ =	strace s9  }
0x27: {  	s1 =	sld [smem:$0x3FA8]  }
0x28: {  	s2 =	sld [smem:$0x3FA9]  }
0x29: {  	s4 =	sld [smem:$0x3FAB]  }
0x2a: {  	p0 =	seq.s32 s5, $0x0;
	s5 =	sld [smem:$0x3FAC]  }
0x2b: {  	s6 =	sld [smem:$0x3FAD]  }
0x2c: {  	s7 =	sld [smem:$0x3FAE]  }
0x2d: {  	s3 =	simm.s32 $0x108;
	s8 =	sld [smem:$0x3FAF]  }
0x2e: {  	s3 =	simm.s32 @!p0 $0x1082;
	s9 =	sld [smem:$0x3FB0]  }
0x2f: {  	lr =	sadd.s32 s0, s3;
	s0 =	sld [smem:$0x3FA7]  }
0x30: {  	s3 =	sld [smem:$0x3FAA]  }
0x31: {  	[smem:$0x3FB3] =	sst s10  }
0x32: {  	s10 =	sld [smem:$0x3FB1];
	_ =	sdelay $0x3  }
0x33: {  	p0 =	seq.s32 s10, $0x1;
	s10 =	sld [smem:$0x3FB3];
	_ =	sdelay $0x3  }
0x34: {  	[smem:$0x3FB3] =	sst s10  }
0x35: {  	s10 =	sld [smem:$0x3FB2];
	_ =	sdelay $0x3  }
0x36: {  	p1 =	seq.s32 s10, $0x1;
	s10 =	sld [smem:$0x3FB3];
	_ =	sdelay $0x3  }
0x37: {  	[smem:$0x3FB3] =	sst s10  }
0x38: {  	s10 =	sld [smem:$0x3FB4]  }
0x39: {  	_ = 	snop;
	(pc) =	sbr.ind lr, $3  }
0x3a: {  	_ = 	snop  }
0x3b: {  	_ = 	snop  }
0x3c: {  	p2 =	seq.s32 s10, $0x1;
	s10 =	sld [smem:$0x3FB3]  }
0x3d: {  	_ =	shalt  }
0x3e: {  	_ =	shalt  }
0x3f: {  	_ =	shalt  }
0x40: {  	_ =	shalt  }
0x41: {  	_ =	shalt  }
0x42: {  	_ =	shalt  }
0x43: {  	_ =	shalt  }
0x44: {  	_ =	shalt  }
0x45: {  	_ =	shalt  }
0x46: {  	_ =	shalt  }
0x47: {  	_ =	shalt  }
0x48: {  	_ =	shalt  }
0x49: {  	_ =	shalt  }
0x4a: {  	_ =	shalt  }
0x4b: {  	_ =	shalt  }
0x4c: {  	_ =	shalt  }
0x4d: {  	_ =	shalt  }
0x4e: {  	_ =	shalt  }
0x4f: {  	_ =	shalt  }
0x50: {  	_ =	shalt  }
0x51: {  	_ =	shalt  }
0x52: {  	_ =	shalt  }
0x53: {  	_ =	shalt  }
0x54: {  	_ =	shalt  }
0x55: {  	_ =	shalt  }
0x56: {  	_ =	shalt  }
0x57: {  	_ =	shalt  }
0x58: {  	_ =	shalt  }
0x59: {  	_ =	shalt  }
0x5a: {  	_ =	shalt  }
0x5b: {  	_ =	shalt  }
0x5c: {  	_ =	shalt  }
0x5d: {  	_ =	shalt  }
0x5e: {  	_ =	shalt  }
0x5f: {  	_ =	shalt  }
0x60: {  	_ =	shalt  }
0x61: {  	_ =	shalt  }
0x62: {  	_ =	shalt  }
0x63: {  	_ =	shalt  }
0x64: {  	_ =	shalt  }
0x65: {  	_ =	shalt  }
0x66: {  	_ =	shalt  }
0x67: {  	_ =	shalt  }
0x68: {  	_ =	shalt  }
0x69: {  	_ =	shalt  }
0x6a: {  	_ =	shalt  }
0x6b: {  	_ =	shalt  }
0x6c: {  	_ =	shalt  }
0x6d: {  	_ =	shalt  }
0x6e: {  	_ =	shalt  }
0x6f: {  	_ =	shalt  }
0x70: {  	_ =	shalt  }
0x71: {  	_ =	shalt  }
0x72: {  	_ =	shalt  }
0x73: {  	_ =	shalt  }
0x74: {  	_ =	shalt  }
0x75: {  	_ =	shalt  }
0x76: {  	_ =	shalt  }
0x77: {  	_ =	shalt  }
0x78: {  	_ =	shalt  }
0x79: {  	_ =	shalt  }
0x7a: {  	_ =	shalt  }
0x7b: {  	_ =	shalt  }
0x7c: {  	_ =	shalt  }
0x7d: {  	_ =	shalt  }
0x7e: {  	_ =	shalt  }
0x7f: {  	_ =	shalt  }
0x80: {  	_ =	shalt  }
0x81: {  	_ =	shalt  }
0x82: {  	_ =	shalt  }
0x83: {  	_ =	shalt  }
0x84: {  	_ =	shalt  }
0x85: {  	_ =	shalt  }
0x86: {  	_ =	shalt  }
0x87: {  	_ =	shalt  }
.Lfunc_end0:
.L_simem_size_0:
called_computation.1_lowered:
.L_overlay_start_0:
0x88: {  	s2 =	sld [smem:$0x3FD9]  }
0x89: {  	s3 =	sld [smem:$0x3FFE];
	_ =	sdelay $0x1  }
0x8a: {  	s1 =	srdreg.scid  }
0x8b: {  	s0 =	sand.u32 $0x1, s1  }
0x8c: {  	s16 =	sshll.u32 s0, $0xA;
	s2 =	sadd.s32 s3, s2  }
0x8d: {  	s2 =	sadd.s32 s2, s16  }
0x8e: {  	[smem:$0x3FBF] =	sst s2  }
0x8f: {  	_ = 	snop  }
0x90: {  	(tm) =	ssettm $0x1  }
0x91: {  	s17 =	sld [smem:$0x3FFB];
	_ =	sdelay $0x3  }
0x92: {  	_ =	strace s17  }
0x93: {  	s2 =	sld [smem:$0x3FFC];
	_ =	sdelay $0x3  }
0x94: {  	_ =	strace s2  }
0x95: {  	s2 =	sld [smem:$0x3FFD];
	_ =	sdelay $0x3  }
0x96: {  	_ =	strace s2  }
0x97: {  	_ =	strace $0x8FFFFFFF  }
0x98: {  	s18 =	sld [smem:$0x3FDB];
	_ =	sdelay $0x1  }
0x99: {  	s19 =	simm.s32 $_scs_section_size  }
0x9a: {  	s4 =	simm.s32 $_size__tile_overlayer_lowered;
	s5 =	simm.s32 $_tile_overlayer_lowered  }
0x9b: {  	s22 =	simm.s32 $0x1BFF;
	s21 =	sshll.u32 s5, $0x1;
	s2 =	sadd.s32 s19, s18  }
0x9c: {  	s6 =	simm.s32 $0x0;
	s20 =	sshll.u32 s4, $0x1;
	s4 =	sadd.s32 s21, s2  }
0x9d: {  	[timem:s6], [sflag:s22] =	dma.local [hbm:s4], s20  }
0x9e: {  	_ =	swait.ge [sflag:s22], s20  }
0x9f: {  	s3 =	ssub.s32 $0x0, s20;
	[sflag:s22] =	ssyncset.done $0x0  }
0xa0: {  	[sflag:s22] =	ssyncadd.s32 s3;
	_ =	sdelay $0x1  }
0xa1: {  	s23 =	simm.s32 $0x1B8B  }
0xa2: {  	_ =	swait.ge [sflag:s23], $0x1  }
0xa3: {  	[sflag:s23] =	ssyncset.done $0x0  }
0xa4: {  	s25 =	simm.s32 $0x1B8E;
	s24 =	sld [smem:$0x3FFE];
	[sflag:s23] =	ssyncadd.s32 $0xFFFFFFFF  }
0xa5: {  	s26 =	simm.s32 $execute0_lowered;
	[smem:$0x3FD2] =	sst s25  }
0xa6: {  	s4 =	sshll.u32 s26, $0x1;
	_ =	strace $0x80000049;
	[dreg:$0x1] =	wrdreg $0xFFFFFFFF  }
0xa7: {  	s28 =	simm.s32 $_size_execute0_lowered;
	s2 =	sadd.s32 s2, s4;
	[dreg:$0x0] =	wrdreg $0x0  }
0xa8: {  	s4 =	sshll.u32 s28, $0x1;
	[dreg:$0x2] =	wrdreg s2  }
0xa9: {  	[dreg:$0x3] =	wrdreg s4  }
0xaa: {  	[dreg:$0x4] =	wrdreg $0xC0  }
0xab: {  	_ =	task [dreg:s6], $0x5FFFF  }
0xac: {  	[dreg:$0x1] =	wrdreg $0xFFFFFFFF  }
0xad: {  	[dreg:$0x0] =	wrdreg $0x60  }
0xae: {  	[dreg:$0x2] =	wrdreg s24  }
0xaf: {  	[dreg:$0x3] =	wrdreg $0x90000  }
0xb0: {  	[dreg:$0x4] =	wrdreg $0x9  }
0xb1: {  	_ =	task.clear_ibuf [dreg:s6], $0x5FFFF;
	_ =	strace $0x90000049  }
0xb2: {  	s29 =	simm.s32 $0x9;
	_ =	strace $0x8000004B  }
0xb3: {  	_ =	swait.ge [sflag:s29], $0x1  }
0xb4: {  	[sflag:s29] =	ssyncadd.s32 $0xFFFFFFFF  }
0xb5: {  	_ =	strace $0x9000004B  }
0xb6: {  	_ =	sfence  }
0xb7: {  	s30 =	sld [smem:$0x0];
	_ =	sdelay $0x2  }
0xb8: {  	s31 =	sshll.u32 s1, $0xD;
	s1 =	sshrl.u32 s1, $0x2  }
0xb9: {  	s3 =	sand.u32 $0x4000, s31;
	s1 =	sadd.s32 s1, s30  }
0xba: {  	s0 =	sor.u32 s3, s0;
	s1 =	sshll.u32 s1, $0x11  }
0xbb: {  	s0 =	sor.u32 s1, s0  }
0xbc: {  	s0 =	sadd.s32 $0x8F2B, s0  }
0xbd: {  	[sflag:s0] =	ssyncadd.remote.s32 $0x1  }
0xbe: {  	_ =	sfence.sel $0xFFFF  }
0xbf: {  	[dreg:$0x0] =	wrdreg $0xFFFFFFFF;
	(pc) =	sbr.abs _section_cstart, $3  }
0xc0: {  	[dreg:$0x1] =	wrdreg $0xFFFFFFFF  }
0xc1: {  	_ =	task.clear_ibuf [dreg:s6], $0x2FFFF;
	_ =	strace $0x9FFFFFFF  }
0xc2: {  	(tm) =	ssettm $0x7FFFFFFF  }
0xc3: {  	_ =	shalt  }
tec
execute0_lowered:
.L_overlay_start_1:
0x0: {  	(tag) =	ssettag $0x1  }
0x1: {  	s0 =	srdreg.scid;
	s8 =	rddreg [dreg:$0x0]  }
0x2: {  	s2 =	rddreg [dreg:$0x1];
	s3 =	simm.s32 $0x0;
	s17 =	simm.s32 $0x7D  }
0x3: {  	s18 =	simm.s32 $0x5000;
	s5 =	sand.u32 $0x1, s0;
	s0 =	stileid.u32  }
0x4: {  	s19 =	simm.s32 $0x0;
	[smem:$0x7FF] =	sst s3;
	s9 =	smul.u32 $0x13800, s0  }
0x5: {  	s13 =	sadd.s32 $0x6F400, s8;
	s16 =	sadd.s32 $0x138000, s2;
	s12 =	smul.u32 $0x4E000, s0  }
0x6: {  	s1 =	sshll.u32 s5, $0x4;
	s10 =	ssub.s32 $0x2, s5;
	s31 =	smul.u32 $0x138800, s5  }
0x7: {  	p0 =	sne.s32 s0, $0xF;
	s14 =	sshll.u32 s0, $0x6;
	s4 =	sor.u32 s0, s1  }
0x8: {  	s1 =	rddreg [dreg:$0x2];
	_ =	strace $0x8000004A;
	s11 =	sshrl.u32 s10, $0x1  }
0x9: {  	s14 =	sor.u32 $0x1C01, s14;
	s16 =	sshrl.u32 @!p0 s16, $0x3;
	s4 =	smul.u32 $0x500, s4  }
0xa: {  	s7 =	sshrl.u32 s9, $0x3;
	s11 =	ssub.s32 s10, s11;
	s12 =	sshrl.u32 s12, $0x2  }
0xb: {  	s9 =	sadd.s32 s9, s31;
	s10 =	sshrl.u32 s31, $0x3;
	s7 =	sadd.s32 s7, s8  }
0xc: {  	s15 =	sadd.s32 s12, s2;
	s9 =	sshrl.u32 s9, $0x3;
	s10 =	sadd.s32 s13, s10  }
0xd: {  	s11 =	smax.u32 s11, $0x1;
	s12 =	simm.s32 $0x1;
	s6 =	sadd.s32 s4, s8  }
0xe: {  	s4 =	sadd.s32 $0x2600, s8;
	s7 =	sadd.s32 $0x29800, s7;
	s8 =	sadd.s32 $0x50800, s8  }
0xf: {  	s9 =	sadd.s32 s13, s9;
	s10 =	sadd.s32 $0x27000, s10;
	s13 =	simm.s32 $0x2800  }
0x10: {  	s15 =	sshrl.u32 s15, $0x3;
	s5 =	sadd.s32 $0x65400, s6;
	s6 =	sadd.s32 $0x5B400, s6  }
.LBB2_1:
0x11: {  	[tilespmem:s3], [sflag:$0x1] =	stream.linear.gather [hbm4b:s5+s3], $0x2800, $0x38;
	[tilespmem:$0x1C880] =	vst v63  }
0x12: {  	_ =	swait.ge [sflag:s12], $0x2800  }
0x13: {  	[sflag:s12] =	ssyncset.done $0x0  }
0x14: {  	[sflag:s12] =	ssyncadd.s32 $0xFFFFD800  }
0x15: {  	[tilespmem:s13], [sflag:$0x1] =	stream.linear.gather [hbm4b:s6+s3], $0x2800, $0x38;
	[tilespmem:$0x1C880] =	vst v63  }
0x16: {  	_ =	swait.ge [sflag:s12], $0x2800  }
0x17: {  	[sflag:s12] =	ssyncset.done $0x0  }
0x18: {  	[sflag:s12] =	ssyncadd.s32 $0xFFFFD800  }
0x19: {  	[spmem:s15], [sflag:s14] =	dma.local [hbm:s7], $0x2700  }
0x1a: {  	_ =	swait.ge [sflag:s12], $0x2700  }
0x1b: {  	[sflag:s12] =	ssyncset.done $0x0  }
0x1c: {  	s20 =	simm.s32 @!p0 $0x1;
	[sflag:s12] =	ssyncadd.s32 $0xFFFFD900  }
0x1d: {  	[spmem:s16], [sflag:s14] =	dma.local @!p0 [hbm:s8], $0x100  }
0x1e: {  	_ =	swait.ge @!p0 [sflag:s20], $0x100  }
0x1f: {  	[sflag:s20] =	ssyncset.done @!p0 $0x0  }
0x20: {  	[sflag:s20] =	ssyncadd.s32 @!p0 $0xFFFFFF00  }
0x21: {  	s30 =	simm.s32 $0x0;
	[bflag:$0x0] =	sbarrier.arrive $0xFFFF  }
0x22: {  	[tilespmem:s18], [sflag:$0x1] =	stream.indirect.gather [hbm4b:s4+s17], $0x80, s30, s17, $0xb8;
	[tilespmem:$0x1C880] =	vst v63  }
0x23: {  	_ =	swait.ge [sflag:s12], $0x3E80  }
0x24: {  	[sflag:s12] =	ssyncset.done $0x0  }
0x25: {  	s31 =	simm.s32 $0x2800;
	[sflag:s12] =	ssyncadd.s32 $0xFFFFC180  }
0x26: {  	[spmem:s2] =	stream.indirect.scatter.add.f32 [tilespmem:s18], [sflag:$0x1], $0x80, s31, s17, $0xb8;
	[tilespmem:$0x1C880] =	vst v63  }
0x27: {  	_ =	swait.ge [sflag:s12], $0x3E80  }
0x28: {  	s21 =	simm.s32 $0x400;
	s20 =	simm.s32 $0x200;
	[sflag:s12] =	ssyncset.done $0x0  }
.LBB2_2:
0x29: {  	s22 =	sshra.s32 s20, $0x2  }
0x2a: {  	[sflag:s12] =	ssyncadd.s32 $0xFFFFC180;
	s20 =	smov.u32 s21;
	s23 =	sadd.s32 $0x200, s21  }
0x2b: {  	[tilespmem:s18], [sflag:$0x1] =	stream.indirect.gather [hbm4b:s4+s17], $0x80, s22, s17, $0xb8;
	[tilespmem:$0x1C880] =	vst v63  }
0x2c: {  	p1 =	sne.s32 s21, $0x9E00;
	_ =	swait.ge [sflag:s12], $0x3E80  }
.Ltmp0:
0x2d: {  	[sflag:s12] =	ssyncset.done $0x0;
	(pc) =	sbr.rel @p1 .LBB2_2-.Ltmp0, $4  }
0x2e: {  	s21 =	sadd.s32 $0x2800, s22;
	[sflag:s12] =	ssyncadd.s32 $0xFFFFC180  }
0x2f: {  	[spmem:s2] =	stream.indirect.scatter.add.f32 [tilespmem:s18], [sflag:$0x1], $0x80, s21, s17, $0xb8;
	[tilespmem:$0x1C880] =	vst v63  }
0x30: {  	_ =	swait.ge [sflag:s12], $0x3E80  }
0x31: {  	s21 =	smov.u32 s23;
	[sflag:s12] =	ssyncset.done $0x0  }
0x32: {  	s20 =	sshra.s32 s20, $0x2;
	[sflag:s12] =	ssyncadd.s32 $0xFFFFC180  }
0x33: {  	[tilespmem:s18], [sflag:$0x1] =	stream.indirect.gather [hbm4b:s4+s17], $0x80, s20, s17, $0xb8;
	[tilespmem:$0x1C880] =	vst v63  }
0x34: {  	_ =	swait.ge [sflag:s12], $0x3E80  }
0x35: {  	[sflag:s12] =	ssyncset.done $0x0  }
0x36: {  	s20 =	sadd.s32 $0x2800, s20;
	[sflag:s12] =	ssyncadd.s32 $0xFFFFC180  }
0x37: {  	[spmem:s2] =	stream.indirect.scatter.add.f32 [tilespmem:s18], [sflag:$0x1], $0x80, s20, s17, $0xb8;
	[tilespmem:$0x1C880] =	vst v63  }
0x38: {  	_ =	swait.ge [sflag:s12], $0x3E80  }
0x39: {  	[sflag:s12] =	ssyncset.done $0x0  }
0x3a: {  	[sflag:s12] =	ssyncadd.s32 $0xFFFFC180  }
0x3b: {  	[bflag:$0x0] =	sbarrier.arrive $0xFFFF  }
0x3c: {  	[hbm:s9], [sflag:s14] =	dma.local [spmem:s15], $0x2700  }
0x3d: {  	s19 =	sadd.s32 $0x1, s19;
	_ =	swait.ge [sflag:s12], $0x2700  }
0x3e: {  	p1 =	sne.s32 s19, s11;
	[sflag:s12] =	ssyncset.done $0x0  }
.Ltmp1:
0x3f: {  	s20 =	simm.s32 @!p0 $0x1;
	[sflag:s12] =	ssyncadd.s32 $0xFFFFD900;
	(pc) =	sbr.rel @p1 .LBB2_1-.Ltmp1, $4  }
0x40: {  	[hbm:s10], [sflag:s14] =	dma.local @!p0 [spmem:s16], $0x100  }
0x41: {  	_ =	swait.ge @!p0 [sflag:s20], $0x100  }
0x42: {  	[sflag:s20] =	ssyncset.done @!p0 $0x0  }
0x43: {  	[sflag:s20] =	ssyncadd.s32 @!p0 $0xFFFFFF00  }
0x44: {  	_ =	sfence.sel $0x180000  }
0x45: {  	[bflag:$0x0] =	sbarrier.arrive $0xFFFF  }
0x46: {  	p0 =	sne.s32 s0, $0x0;
	_ =	strace $0x9000004A  }
0x47: {  	s0 =	sadd.s32 @!p0 $0x100000, s1;
	[bflag:$0x2] =	sbarrier.arrive $0xFFFF  }
0x48: {  	[sflag:s0] =	ssyncadd.tile.s32 @!p0 $0x1;
	_ =	shalt  }
.Lfunc_end2:
_tile_overlayer_lowered:
.L_overlay_start_2:
0x49: {  	(tag) =	ssettag $0x2  }
0x4a: {  	s0 =	rddreg [dreg:$0x0];
	s2 =	stileid.u32  }
0x4b: {  	s1 =	rddreg [dreg:$0x1];
	p0 =	sne.s32 s2, $0x0  }
0x4c: {  	s3 =	rddreg [dreg:$0x2];
	[bflag:$0x3] =	sbarrier.arrive $0xFFFF;
	s2 =	simm.s32 @!p0 $0x1C01  }
0x4d: {  	[timem:s3], [sflag:s2] =	dma.local @!p0 [hbm:s0], s1  }
0x4e: {  	s0 =	simm.s32 @!p0 $0x1  }
0x4f: {  	_ =	swait.ge @!p0 [sflag:s0], s1  }
0x50: {  	s1 =	ssub.s32 @!p0 $0x0, s1;
	[sflag:s0] =	ssyncset.done @!p0 $0x0  }
0x51: {  	[sflag:s0] =	ssyncadd.s32 @!p0 s1  }
0x52: {  	[bflag:$0x3] =	sbarrier.arrive $0xFFFF  }
0x53: {  	_ =	shalt  }

// kernel: kernel.15.cloned.1.call-start
scs
__scs_entry_jumppad:
0x0: {  	(pc) =	sbr.rel $0x88, $3  }
0x1: {  	(tag) =	ssettag $0x0;
	lr =	simm.s32 $0x1  }
0x2: {  	[smem:$0x3F98] =	sst lr;
	_ =	strace $0xD0000000  }
0x3: {  	_ = 	snop  }
0x4: {  	_ = 	snop  }
0x5: {  	_ = 	snop  }
0x6: {  	_ = 	snop  }
0x7: {  	_ = 	snop  }
__scs_overlays_trampoline_lowered:
0x8: {  	[smem:$0x3FA7] =	sst s0  }
0x9: {  	[smem:$0x3FA8] =	sst s1  }
0xa: {  	[smem:$0x3FA9] =	sst s2  }
0xb: {  	[smem:$0x3FAA] =	sst s3  }
0xc: {  	[smem:$0x3FAB] =	sst s4  }
0xd: {  	[smem:$0x3FAC] =	sst s5  }
0xe: {  	[smem:$0x3FAD] =	sst s6  }
0xf: {  	[smem:$0x3FAE] =	sst s7  }
0x10: {  	[smem:$0x3FAF] =	sst s8  }
0x11: {  	[smem:$0x3FB0] =	sst s9;
	s0 =	simm.s32 @!p0 $0x0  }
0x12: {  	s1 =	sld [smem:$0x3F96];
	s0 =	simm.s32 @p0 $0x1  }
0x13: {  	[smem:$0x3FB1] =	sst s0;
	s0 =	simm.s32 @!p1 $0x0  }
0x14: {  	s2 =	sld [smem:$0x3F95];
	s0 =	simm.s32 @p1 $0x1  }
0x15: {  	[smem:$0x3FB2] =	sst s0;
	s0 =	simm.s32 @!p2 $0x0  }
0x16: {  	s3 =	sld [smem:$0x3FDB];
	s0 =	simm.s32 @p2 $0x1  }
0x17: {  	s4 =	simm.s32 $0x1BF5;
	[smem:$0x3FB4] =	sst s0  }
0x18: {  	s0 =	sld [smem:$0x3F97];
	_ =	swait.ge [sflag:s4], $0x0  }
0x19: {  	s7 =	sld [smem:$0x3F98]  }
0x1a: {  	s8 =	sadd.s32 $0xFFFFE003, lr  }
0x1b: {  	s9 =	sadd.s32 $0xFFFFFEF7, lr;
	s5 =	simm.s32 $0xFFFFFFFF;
	p2 =	slt.u32 s8, $0xFFFFF086  }
0x1c: {  	p1 =	slt.u32 s9, $0xF7A;
	s5 =	simm.s32 @!p2 $0x0  }
0x1d: {  	s5 =	simm.s32 @p1 $0x1;
	p0 =	seq.s32 s7, s2  }
0x1e: {  	s7 =	smul.u32 @!p0 $0xF7A, s2;
	p2 =	seq.s32 @!p0 s5, $0x0  }
0x1f: {  	s9 =	smul.u32 $0xF7A, s1;
	s8 =	simm.s32 @!p0 $0x1BF5;
	p2 =	por !p2, p0  }
0x20: {  	[sflag:s8] =	ssyncset.s32 @!p0 $0xFFFFF086;
	s6 =	sadd.s32 @!p0 s3, s7;
	s7 =	simm.s32 @!p0 $0x108  }
0x21: {  	s3 =	sadd.s32 s3, s9;
	s6 =	sadd.s32 @!p0 $0x88, s6;
	s7 =	simm.s32 @p2 $0x1082  }
0x22: {  	[simem:s7], [sflag:s8] =	dma.local @!p0 [hbm:s6], $0xF7A  }
0x23: {  	s9 =	sor.u32 $0xD0000000, s2;
	s6 =	simm.s32 $0x108;
	_ =	swait.ge @!p0 [sflag:s8], $0x0  }
0x24: {  	s3 =	sadd.s32 $0x88, s3;
	s6 =	simm.s32 @!p1 $0x1082;
	[sflag:s4] =	ssyncset.s32 $0xFFFFF086  }
0x25: {  	[simem:s6], [sflag:s4] =	dma.local [hbm:s3], $0xF7A  }
0x26: {  	[smem:$0x3F98] =	sst s1;
	(tag) =	ssettag s2;
	_ =	strace s9  }
0x27: {  	s1 =	sld [smem:$0x3FA8]  }
0x28: {  	s2 =	sld [smem:$0x3FA9]  }
0x29: {  	s4 =	sld [smem:$0x3FAB]  }
0x2a: {  	p0 =	seq.s32 s5, $0x0;
	s5 =	sld [smem:$0x3FAC]  }
0x2b: {  	s6 =	sld [smem:$0x3FAD]  }
0x2c: {  	s7 =	sld [smem:$0x3FAE]  }
0x2d: {  	s3 =	simm.s32 $0x108;
	s8 =	sld [smem:$0x3FAF]  }
0x2e: {  	s3 =	simm.s32 @!p0 $0x1082;
	s9 =	sld [smem:$0x3FB0]  }
0x2f: {  	lr =	sadd.s32 s0, s3;
	s0 =	sld [smem:$0x3FA7]  }
0x30: {  	s3 =	sld [smem:$0x3FAA]  }
0x31: {  	[smem:$0x3FB3] =	sst s10  }
0x32: {  	s10 =	sld [smem:$0x3FB1];
	_ =	sdelay $0x3  }
0x33: {  	p0 =	seq.s32 s10, $0x1;
	s10 =	sld [smem:$0x3FB3];
	_ =	sdelay $0x3  }
0x34: {  	[smem:$0x3FB3] =	sst s10  }
0x35: {  	s10 =	sld [smem:$0x3FB2];
	_ =	sdelay $0x3  }
0x36: {  	p1 =	seq.s32 s10, $0x1;
	s10 =	sld [smem:$0x3FB3];
	_ =	sdelay $0x3  }
0x37: {  	[smem:$0x3FB3] =	sst s10  }
0x38: {  	s10 =	sld [smem:$0x3FB4]  }
0x39: {  	_ = 	snop;
	(pc) =	sbr.ind lr, $3  }
0x3a: {  	_ = 	snop  }
0x3b: {  	_ = 	snop  }
0x3c: {  	p2 =	seq.s32 s10, $0x1;
	s10 =	sld [smem:$0x3FB3]  }
0x3d: {  	_ =	shalt  }
0x3e: {  	_ =	shalt  }
0x3f: {  	_ =	shalt  }
0x40: {  	_ =	shalt  }
0x41: {  	_ =	shalt  }
0x42: {  	_ =	shalt  }
0x43: {  	_ =	shalt  }
0x44: {  	_ =	shalt  }
0x45: {  	_ =	shalt  }
0x46: {  	_ =	shalt  }
0x47: {  	_ =	shalt  }
0x48: {  	_ =	shalt  }
0x49: {  	_ =	shalt  }
0x4a: {  	_ =	shalt  }
0x4b: {  	_ =	shalt  }
0x4c: {  	_ =	shalt  }
0x4d: {  	_ =	shalt  }
0x4e: {  	_ =	shalt  }
0x4f: {  	_ =	shalt  }
0x50: {  	_ =	shalt  }
0x51: {  	_ =	shalt  }
0x52: {  	_ =	shalt  }
0x53: {  	_ =	shalt  }
0x54: {  	_ =	shalt  }
0x55: {  	_ =	shalt  }
0x56: {  	_ =	shalt  }
0x57: {  	_ =	shalt  }
0x58: {  	_ =	shalt  }
0x59: {  	_ =	shalt  }
0x5a: {  	_ =	shalt  }
0x5b: {  	_ =	shalt  }
0x5c: {  	_ =	shalt  }
0x5d: {  	_ =	shalt  }
0x5e: {  	_ =	shalt  }
0x5f: {  	_ =	shalt  }
0x60: {  	_ =	shalt  }
0x61: {  	_ =	shalt  }
0x62: {  	_ =	shalt  }
0x63: {  	_ =	shalt  }
0x64: {  	_ =	shalt  }
0x65: {  	_ =	shalt  }
0x66: {  	_ =	shalt  }
0x67: {  	_ =	shalt  }
0x68: {  	_ =	shalt  }
0x69: {  	_ =	shalt  }
0x6a: {  	_ =	shalt  }
0x6b: {  	_ =	shalt  }
0x6c: {  	_ =	shalt  }
0x6d: {  	_ =	shalt  }
0x6e: {  	_ =	shalt  }
0x6f: {  	_ =	shalt  }
0x70: {  	_ =	shalt  }
0x71: {  	_ =	shalt  }
0x72: {  	_ =	shalt  }
0x73: {  	_ =	shalt  }
0x74: {  	_ =	shalt  }
0x75: {  	_ =	shalt  }
0x76: {  	_ =	shalt  }
0x77: {  	_ =	shalt  }
0x78: {  	_ =	shalt  }
0x79: {  	_ =	shalt  }
0x7a: {  	_ =	shalt  }
0x7b: {  	_ =	shalt  }
0x7c: {  	_ =	shalt  }
0x7d: {  	_ =	shalt  }
0x7e: {  	_ =	shalt  }
0x7f: {  	_ =	shalt  }
0x80: {  	_ =	shalt  }
0x81: {  	_ =	shalt  }
0x82: {  	_ =	shalt  }
0x83: {  	_ =	shalt  }
0x84: {  	_ =	shalt  }
0x85: {  	_ =	shalt  }
0x86: {  	_ =	shalt  }
0x87: {  	_ =	shalt  }
.Lfunc_end0:
.L_simem_size_0:
called_computation.2_lowered:
.L_overlay_start_0:
0x88: {  	s2 =	sld [smem:$0x3FD9]  }
0x89: {  	s3 =	sld [smem:$0x3FFE];
	_ =	sdelay $0x1  }
0x8a: {  	s1 =	srdreg.scid  }
0x8b: {  	s0 =	sand.u32 $0x1, s1  }
0x8c: {  	s16 =	sshll.u32 s0, $0xA;
	s2 =	sadd.s32 s3, s2  }
0x8d: {  	s2 =	sadd.s32 s2, s16  }
0x8e: {  	[smem:$0x3FBF] =	sst s2  }
0x8f: {  	_ = 	snop  }
0x90: {  	(tm) =	ssettm $0x1  }
0x91: {  	s17 =	sld [smem:$0x3FFB];
	_ =	sdelay $0x3  }
0x92: {  	_ =	strace s17  }
0x93: {  	s2 =	sld [smem:$0x3FFC];
	_ =	sdelay $0x3  }
0x94: {  	_ =	strace s2  }
0x95: {  	s2 =	sld [smem:$0x3FFD];
	_ =	sdelay $0x3  }
0x96: {  	_ =	strace s2  }
0x97: {  	_ =	strace $0x8FFFFFFF  }
0x98: {  	s18 =	sld [smem:$0x3FDB];
	_ =	sdelay $0x1  }
0x99: {  	s19 =	simm.s32 $_scs_section_size  }
0x9a: {  	s4 =	simm.s32 $_size__tile_overlayer_lowered;
	s5 =	simm.s32 $_tile_overlayer_lowered  }
0x9b: {  	s22 =	simm.s32 $0x1BFF;
	s21 =	sshll.u32 s5, $0x1;
	s2 =	sadd.s32 s19, s18  }
0x9c: {  	s6 =	simm.s32 $0x0;
	s20 =	sshll.u32 s4, $0x1;
	s4 =	sadd.s32 s21, s2  }
0x9d: {  	[timem:s6], [sflag:s22] =	dma.local [hbm:s4], s20  }
0x9e: {  	_ =	swait.ge [sflag:s22], s20  }
0x9f: {  	s3 =	ssub.s32 $0x0, s20;
	[sflag:s22] =	ssyncset.done $0x0  }
0xa0: {  	[sflag:s22] =	ssyncadd.s32 s3;
	_ =	sdelay $0x1  }
0xa1: {  	s23 =	simm.s32 $0x1B8B  }
0xa2: {  	_ =	swait.ge [sflag:s23], $0x1  }
0xa3: {  	[sflag:s23] =	ssyncset.done $0x0  }
0xa4: {  	s25 =	simm.s32 $0x1B8E;
	s24 =	sld [smem:$0x3FFE];
	[sflag:s23] =	ssyncadd.s32 $0xFFFFFFFF  }
0xa5: {  	s26 =	simm.s32 $execute0_lowered;
	[smem:$0x3FD2] =	sst s25  }
0xa6: {  	s4 =	sshll.u32 s26, $0x1;
	_ =	strace $0x8000004C;
	[dreg:$0x1] =	wrdreg $0xFFFFFFFF  }
0xa7: {  	s28 =	simm.s32 $_size_execute0_lowered;
	s2 =	sadd.s32 s2, s4;
	[dreg:$0x0] =	wrdreg $0x0  }
0xa8: {  	s4 =	sshll.u32 s28, $0x1;
	[dreg:$0x2] =	wrdreg s2  }
0xa9: {  	[dreg:$0x3] =	wrdreg s4  }
0xaa: {  	[dreg:$0x4] =	wrdreg $0xC0  }
0xab: {  	_ =	task [dreg:s6], $0x5FFFF  }
0xac: {  	[dreg:$0x1] =	wrdreg $0xFFFFFFFF  }
0xad: {  	[dreg:$0x0] =	wrdreg $0x60  }
0xae: {  	[dreg:$0x2] =	wrdreg s24  }
0xaf: {  	[dreg:$0x3] =	wrdreg $0x90000  }
0xb0: {  	[dreg:$0x4] =	wrdreg $0x9  }
0xb1: {  	_ =	task.clear_ibuf [dreg:s6], $0x5FFFF;
	_ =	strace $0x9000004C  }
0xb2: {  	s29 =	simm.s32 $0x9;
	_ =	strace $0x8000004E  }
0xb3: {  	_ =	swait.ge [sflag:s29], $0x1  }
0xb4: {  	[sflag:s29] =	ssyncadd.s32 $0xFFFFFFFF  }
0xb5: {  	_ =	strace $0x9000004E  }
0xb6: {  	_ =	sfence  }
0xb7: {  	s30 =	sld [smem:$0x0];
	_ =	sdelay $0x2  }
0xb8: {  	s31 =	sshll.u32 s1, $0xD;
	s1 =	sshrl.u32 s1, $0x2  }
0xb9: {  	s3 =	sand.u32 $0x4000, s31;
	s1 =	sadd.s32 s1, s30  }
0xba: {  	s0 =	sor.u32 s3, s0;
	s1 =	sshll.u32 s1, $0x11  }
0xbb: {  	s0 =	sor.u32 s1, s0  }
0xbc: {  	s0 =	sadd.s32 $0x8F2B, s0  }
0xbd: {  	[sflag:s0] =	ssyncadd.remote.s32 $0x1  }
0xbe: {  	_ =	sfence.sel $0xFFFF  }
0xbf: {  	[dreg:$0x0] =	wrdreg $0xFFFFFFFF;
	(pc) =	sbr.abs _section_cstart, $3  }
0xc0: {  	[dreg:$0x1] =	wrdreg $0xFFFFFFFF  }
0xc1: {  	_ =	task.clear_ibuf [dreg:s6], $0x2FFFF;
	_ =	strace $0x9FFFFFFF  }
0xc2: {  	(tm) =	ssettm $0x7FFFFFFF  }
0xc3: {  	_ =	shalt  }
tec
execute0_lowered:
.L_overlay_start_1:
0x0: {  	(tag) =	ssettag $0x1  }
0x1: {  	s0 =	srdreg.scid;
	s8 =	rddreg [dreg:$0x0]  }
0x2: {  	s2 =	rddreg [dreg:$0x1];
	s3 =	simm.s32 $0x0;
	s17 =	simm.s32 $0x7D  }
0x3: {  	s18 =	simm.s32 $0x5000;
	s5 =	sand.u32 $0x1, s0;
	s0 =	stileid.u32  }
0x4: {  	s19 =	simm.s32 $0x0;
	[smem:$0x7FF] =	sst s3;
	s9 =	smul.u32 $0x13800, s0  }
0x5: {  	s13 =	sadd.s32 $0x6F400, s8;
	s16 =	sadd.s32 $0x138000, s2;
	s12 =	smul.u32 $0x4E000, s0  }
0x6: {  	s1 =	sshll.u32 s5, $0x4;
	s10 =	ssub.s32 $0x2, s5;
	s31 =	smul.u32 $0x138800, s5  }
0x7: {  	p0 =	sne.s32 s0, $0xF;
	s14 =	sshll.u32 s0, $0x6;
	s4 =	sor.u32 s0, s1  }
0x8: {  	s1 =	rddreg [dreg:$0x2];
	_ =	strace $0x8000004D;
	s11 =	sshrl.u32 s10, $0x1  }
0x9: {  	s14 =	sor.u32 $0x1C01, s14;
	s16 =	sshrl.u32 @!p0 s16, $0x3;
	s4 =	smul.u32 $0x500, s4  }
0xa: {  	s7 =	sshrl.u32 s9, $0x3;
	s11 =	ssub.s32 s10, s11;
	s12 =	sshrl.u32 s12, $0x2  }
0xb: {  	s9 =	sadd.s32 s9, s31;
	s10 =	sshrl.u32 s31, $0x3;
	s7 =	sadd.s32 s7, s8  }
0xc: {  	s15 =	sadd.s32 s12, s2;
	s9 =	sshrl.u32 s9, $0x3;
	s10 =	sadd.s32 s13, s10  }
0xd: {  	s11 =	smax.u32 s11, $0x1;
	s12 =	simm.s32 $0x1;
	s6 =	sadd.s32 s4, s8  }
0xe: {  	s4 =	sadd.s32 $0x2600, s8;
	s7 =	sadd.s32 $0x29800, s7;
	s8 =	sadd.s32 $0x50800, s8  }
0xf: {  	s9 =	sadd.s32 s13, s9;
	s10 =	sadd.s32 $0x27000, s10;
	s13 =	simm.s32 $0x2800  }
0x10: {  	s15 =	sshrl.u32 s15, $0x3;
	s5 =	sadd.s32 $0x65400, s6;
	s6 =	sadd.s32 $0x5B400, s6  }
.LBB2_1:
0x11: {  	[tilespmem:s3], [sflag:$0x1] =	stream.linear.gather [hbm4b:s5+s3], $0x2800, $0x38;
	[tilespmem:$0x1C880] =	vst v63  }
0x12: {  	_ =	swait.ge [sflag:s12], $0x2800  }
0x13: {  	[sflag:s12] =	ssyncset.done $0x0  }
0x14: {  	[sflag:s12] =	ssyncadd.s32 $0xFFFFD800  }
0x15: {  	[tilespmem:s13], [sflag:$0x1] =	stream.linear.gather [hbm4b:s6+s3], $0x2800, $0x38;
	[tilespmem:$0x1C880] =	vst v63  }
0x16: {  	_ =	swait.ge [sflag:s12], $0x2800  }
0x17: {  	[sflag:s12] =	ssyncset.done $0x0  }
0x18: {  	[sflag:s12] =	ssyncadd.s32 $0xFFFFD800  }
0x19: {  	[spmem:s15], [sflag:s14] =	dma.local [hbm:s7], $0x2700  }
0x1a: {  	_ =	swait.ge [sflag:s12], $0x2700  }
0x1b: {  	[sflag:s12] =	ssyncset.done $0x0  }
0x1c: {  	s20 =	simm.s32 @!p0 $0x1;
	[sflag:s12] =	ssyncadd.s32 $0xFFFFD900  }
0x1d: {  	[spmem:s16], [sflag:s14] =	dma.local @!p0 [hbm:s8], $0x100  }
0x1e: {  	_ =	swait.ge @!p0 [sflag:s20], $0x100  }
0x1f: {  	[sflag:s20] =	ssyncset.done @!p0 $0x0  }
0x20: {  	[sflag:s20] =	ssyncadd.s32 @!p0 $0xFFFFFF00  }
0x21: {  	s30 =	simm.s32 $0x0;
	[bflag:$0x0] =	sbarrier.arrive $0xFFFF  }
0x22: {  	[tilespmem:s18], [sflag:$0x1] =	stream.indirect.gather [hbm4b:s4+s17], $0x80, s30, s17, $0xb8;
	[tilespmem:$0x1C880] =	vst v63  }
0x23: {  	_ =	swait.ge [sflag:s12], $0x3E80  }
0x24: {  	[sflag:s12] =	ssyncset.done $0x0  }
0x25: {  	s31 =	simm.s32 $0x2800;
	[sflag:s12] =	ssyncadd.s32 $0xFFFFC180  }
0x26: {  	[spmem:s2] =	stream.indirect.scatter.add.f32 [tilespmem:s18], [sflag:$0x1], $0x80, s31, s17, $0xb8;
	[tilespmem:$0x1C880] =	vst v63  }
0x27: {  	_ =	swait.ge [sflag:s12], $0x3E80  }
0x28: {  	s21 =	simm.s32 $0x400;
	s20 =	simm.s32 $0x200;
	[sflag:s12] =	ssyncset.done $0x0  }
.LBB2_2:
0x29: {  	s22 =	sshra.s32 s20, $0x2  }
0x2a: {  	[sflag:s12] =	ssyncadd.s32 $0xFFFFC180;
	s20 =	smov.u32 s21;
	s23 =	sadd.s32 $0x200, s21  }
0x2b: {  	[tilespmem:s18], [sflag:$0x1] =	stream.indirect.gather [hbm4b:s4+s17], $0x80, s22, s17, $0xb8;
	[tilespmem:$0x1C880] =	vst v63  }
0x2c: {  	p1 =	sne.s32 s21, $0x9E00;
	_ =	swait.ge [sflag:s12], $0x3E80  }
.Ltmp0:
0x2d: {  	[sflag:s12] =	ssyncset.done $0x0;
	(pc) =	sbr.rel @p1 .LBB2_2-.Ltmp0, $4  }
0x2e: {  	s21 =	sadd.s32 $0x2800, s22;
	[sflag:s12] =	ssyncadd.s32 $0xFFFFC180  }
0x2f: {  	[spmem:s2] =	stream.indirect.scatter.add.f32 [tilespmem:s18], [sflag:$0x1], $0x80, s21, s17, $0xb8;
	[tilespmem:$0x1C880] =	vst v63  }
0x30: {  	_ =	swait.ge [sflag:s12], $0x3E80  }
0x31: {  	s21 =	smov.u32 s23;
	[sflag:s12] =	ssyncset.done $0x0  }
0x32: {  	s20 =	sshra.s32 s20, $0x2;
	[sflag:s12] =	ssyncadd.s32 $0xFFFFC180  }
0x33: {  	[tilespmem:s18], [sflag:$0x1] =	stream.indirect.gather [hbm4b:s4+s17], $0x80, s20, s17, $0xb8;
	[tilespmem:$0x1C880] =	vst v63  }
0x34: {  	_ =	swait.ge [sflag:s12], $0x3E80  }
0x35: {  	[sflag:s12] =	ssyncset.done $0x0  }
0x36: {  	s20 =	sadd.s32 $0x2800, s20;
	[sflag:s12] =	ssyncadd.s32 $0xFFFFC180  }
0x37: {  	[spmem:s2] =	stream.indirect.scatter.add.f32 [tilespmem:s18], [sflag:$0x1], $0x80, s20, s17, $0xb8;
	[tilespmem:$0x1C880] =	vst v63  }
0x38: {  	_ =	swait.ge [sflag:s12], $0x3E80  }
0x39: {  	[sflag:s12] =	ssyncset.done $0x0  }
0x3a: {  	[sflag:s12] =	ssyncadd.s32 $0xFFFFC180  }
0x3b: {  	[bflag:$0x0] =	sbarrier.arrive $0xFFFF  }
0x3c: {  	[hbm:s9], [sflag:s14] =	dma.local [spmem:s15], $0x2700  }
0x3d: {  	s19 =	sadd.s32 $0x1, s19;
	_ =	swait.ge [sflag:s12], $0x2700  }
0x3e: {  	p1 =	sne.s32 s19, s11;
	[sflag:s12] =	ssyncset.done $0x0  }
.Ltmp1:
0x3f: {  	s20 =	simm.s32 @!p0 $0x1;
	[sflag:s12] =	ssyncadd.s32 $0xFFFFD900;
	(pc) =	sbr.rel @p1 .LBB2_1-.Ltmp1, $4  }
0x40: {  	[hbm:s10], [sflag:s14] =	dma.local @!p0 [spmem:s16], $0x100  }
0x41: {  	_ =	swait.ge @!p0 [sflag:s20], $0x100  }
0x42: {  	[sflag:s20] =	ssyncset.done @!p0 $0x0  }
0x43: {  	[sflag:s20] =	ssyncadd.s32 @!p0 $0xFFFFFF00  }
0x44: {  	_ =	sfence.sel $0x180000  }
0x45: {  	[bflag:$0x0] =	sbarrier.arrive $0xFFFF  }
0x46: {  	p0 =	sne.s32 s0, $0x0;
	_ =	strace $0x9000004D  }
0x47: {  	s0 =	sadd.s32 @!p0 $0x100000, s1;
	[bflag:$0x2] =	sbarrier.arrive $0xFFFF  }
0x48: {  	[sflag:s0] =	ssyncadd.tile.s32 @!p0 $0x1;
	_ =	shalt  }
.Lfunc_end2:
_tile_overlayer_lowered:
.L_overlay_start_2:
0x49: {  	(tag) =	ssettag $0x2  }
0x4a: {  	s0 =	rddreg [dreg:$0x0];
	s2 =	stileid.u32  }
0x4b: {  	s1 =	rddreg [dreg:$0x1];
	p0 =	sne.s32 s2, $0x0  }
0x4c: {  	s3 =	rddreg [dreg:$0x2];
	[bflag:$0x3] =	sbarrier.arrive $0xFFFF;
	s2 =	simm.s32 @!p0 $0x1C01  }
0x4d: {  	[timem:s3], [sflag:s2] =	dma.local @!p0 [hbm:s0], s1  }
0x4e: {  	s0 =	simm.s32 @!p0 $0x1  }
0x4f: {  	_ =	swait.ge @!p0 [sflag:s0], s1  }
0x50: {  	s1 =	ssub.s32 @!p0 $0x0, s1;
	[sflag:s0] =	ssyncset.done @!p0 $0x0  }
0x51: {  	[sflag:s0] =	ssyncadd.s32 @!p0 s1  }
0x52: {  	[bflag:$0x3] =	sbarrier.arrive $0xFFFF  }
0x53: {  	_ =	shalt  }

// kernel: kernel.9.cloned.1.call-start
scs
__scs_entry_jumppad:
0x0: {  	(pc) =	sbr.rel $0x88, $3  }
0x1: {  	(tag) =	ssettag $0x0;
	lr =	simm.s32 $0x1  }
0x2: {  	[smem:$0x3F98] =	sst lr;
	_ =	strace $0xD0000000  }
0x3: {  	_ = 	snop  }
0x4: {  	_ = 	snop  }
0x5: {  	_ = 	snop  }
0x6: {  	_ = 	snop  }
0x7: {  	_ = 	snop  }
__scs_overlays_trampoline_lowered:
0x8: {  	[smem:$0x3FA7] =	sst s0  }
0x9: {  	[smem:$0x3FA8] =	sst s1  }
0xa: {  	[smem:$0x3FA9] =	sst s2  }
0xb: {  	[smem:$0x3FAA] =	sst s3  }
0xc: {  	[smem:$0x3FAB] =	sst s4  }
0xd: {  	[smem:$0x3FAC] =	sst s5  }
0xe: {  	[smem:$0x3FAD] =	sst s6  }
0xf: {  	[smem:$0x3FAE] =	sst s7  }
0x10: {  	[smem:$0x3FAF] =	sst s8  }
0x11: {  	[smem:$0x3FB0] =	sst s9;
	s0 =	simm.s32 @!p0 $0x0  }
0x12: {  	s1 =	sld [smem:$0x3F96];
	s0 =	simm.s32 @p0 $0x1  }
0x13: {  	[smem:$0x3FB1] =	sst s0;
	s0 =	simm.s32 @!p1 $0x0  }
0x14: {  	s2 =	sld [smem:$0x3F95];
	s0 =	simm.s32 @p1 $0x1  }
0x15: {  	[smem:$0x3FB2] =	sst s0;
	s0 =	simm.s32 @!p2 $0x0  }
0x16: {  	s3 =	sld [smem:$0x3FDB];
	s0 =	simm.s32 @p2 $0x1  }
0x17: {  	s4 =	simm.s32 $0x1BF5;
	[smem:$0x3FB4] =	sst s0  }
0x18: {  	s0 =	sld [smem:$0x3F97];
	_ =	swait.ge [sflag:s4], $0x0  }
0x19: {  	s7 =	sld [smem:$0x3F98]  }
0x1a: {  	s8 =	sadd.s32 $0xFFFFE003, lr  }
0x1b: {  	s9 =	sadd.s32 $0xFFFFFEF7, lr;
	s5 =	simm.s32 $0xFFFFFFFF;
	p2 =	slt.u32 s8, $0xFFFFF086  }
0x1c: {  	p1 =	slt.u32 s9, $0xF7A;
	s5 =	simm.s32 @!p2 $0x0  }
0x1d: {  	s5 =	simm.s32 @p1 $0x1;
	p0 =	seq.s32 s7, s2  }
0x1e: {  	s7 =	smul.u32 @!p0 $0xF7A, s2;
	p2 =	seq.s32 @!p0 s5, $0x0  }
0x1f: {  	s9 =	smul.u32 $0xF7A, s1;
	s8 =	simm.s32 @!p0 $0x1BF5;
	p2 =	por !p2, p0  }
0x20: {  	[sflag:s8] =	ssyncset.s32 @!p0 $0xFFFFF086;
	s6 =	sadd.s32 @!p0 s3, s7;
	s7 =	simm.s32 @!p0 $0x108  }
0x21: {  	s3 =	sadd.s32 s3, s9;
	s6 =	sadd.s32 @!p0 $0x88, s6;
	s7 =	simm.s32 @p2 $0x1082  }
0x22: {  	[simem:s7], [sflag:s8] =	dma.local @!p0 [hbm:s6], $0xF7A  }
0x23: {  	s9 =	sor.u32 $0xD0000000, s2;
	s6 =	simm.s32 $0x108;
	_ =	swait.ge @!p0 [sflag:s8], $0x0  }
0x24: {  	s3 =	sadd.s32 $0x88, s3;
	s6 =	simm.s32 @!p1 $0x1082;
	[sflag:s4] =	ssyncset.s32 $0xFFFFF086  }
0x25: {  	[simem:s6], [sflag:s4] =	dma.local [hbm:s3], $0xF7A  }
0x26: {  	[smem:$0x3F98] =	sst s1;
	(tag) =	ssettag s2;
	_ =	strace s9  }
0x27: {  	s1 =	sld [smem:$0x3FA8]  }
0x28: {  	s2 =	sld [smem:$0x3FA9]  }
0x29: {  	s4 =	sld [smem:$0x3FAB]  }
0x2a: {  	p0 =	seq.s32 s5, $0x0;
	s5 =	sld [smem:$0x3FAC]  }
0x2b: {  	s6 =	sld [smem:$0x3FAD]  }
0x2c: {  	s7 =	sld [smem:$0x3FAE]  }
0x2d: {  	s3 =	simm.s32 $0x108;
	s8 =	sld [smem:$0x3FAF]  }
0x2e: {  	s3 =	simm.s32 @!p0 $0x1082;
	s9 =	sld [smem:$0x3FB0]  }
0x2f: {  	lr =	sadd.s32 s0, s3;
	s0 =	sld [smem:$0x3FA7]  }
0x30: {  	s3 =	sld [smem:$0x3FAA]  }
0x31: {  	[smem:$0x3FB3] =	sst s10  }
0x32: {  	s10 =	sld [smem:$0x3FB1];
	_ =	sdelay $0x3  }
0x33: {  	p0 =	seq.s32 s10, $0x1;
	s10 =	sld [smem:$0x3FB3];
	_ =	sdelay $0x3  }
0x34: {  	[smem:$0x3FB3] =	sst s10  }
0x35: {  	s10 =	sld [smem:$0x3FB2];
	_ =	sdelay $0x3  }
0x36: {  	p1 =	seq.s32 s10, $0x1;
	s10 =	sld [smem:$0x3FB3];
	_ =	sdelay $0x3  }
0x37: {  	[smem:$0x3FB3] =	sst s10  }
0x38: {  	s10 =	sld [smem:$0x3FB4]  }
0x39: {  	_ = 	snop;
	(pc) =	sbr.ind lr, $3  }
0x3a: {  	_ = 	snop  }
0x3b: {  	_ = 	snop  }
0x3c: {  	p2 =	seq.s32 s10, $0x1;
	s10 =	sld [smem:$0x3FB3]  }
0x3d: {  	_ =	shalt  }
0x3e: {  	_ =	shalt  }
0x3f: {  	_ =	shalt  }
0x40: {  	_ =	shalt  }
0x41: {  	_ =	shalt  }
0x42: {  	_ =	shalt  }
0x43: {  	_ =	shalt  }
0x44: {  	_ =	shalt  }
0x45: {  	_ =	shalt  }
0x46: {  	_ =	shalt  }
0x47: {  	_ =	shalt  }
0x48: {  	_ =	shalt  }
0x49: {  	_ =	shalt  }
0x4a: {  	_ =	shalt  }
0x4b: {  	_ =	shalt  }
0x4c: {  	_ =	shalt  }
0x4d: {  	_ =	shalt  }
0x4e: {  	_ =	shalt  }
0x4f: {  	_ =	shalt  }
0x50: {  	_ =	shalt  }
0x51: {  	_ =	shalt  }
0x52: {  	_ =	shalt  }
0x53: {  	_ =	shalt  }
0x54: {  	_ =	shalt  }
0x55: {  	_ =	shalt  }
0x56: {  	_ =	shalt  }
0x57: {  	_ =	shalt  }
0x58: {  	_ =	shalt  }
0x59: {  	_ =	shalt  }
0x5a: {  	_ =	shalt  }
0x5b: {  	_ =	shalt  }
0x5c: {  	_ =	shalt  }
0x5d: {  	_ =	shalt  }
0x5e: {  	_ =	shalt  }
0x5f: {  	_ =	shalt  }
0x60: {  	_ =	shalt  }
0x61: {  	_ =	shalt  }
0x62: {  	_ =	shalt  }
0x63: {  	_ =	shalt  }
0x64: {  	_ =	shalt  }
0x65: {  	_ =	shalt  }
0x66: {  	_ =	shalt  }
0x67: {  	_ =	shalt  }
0x68: {  	_ =	shalt  }
0x69: {  	_ =	shalt  }
0x6a: {  	_ =	shalt  }
0x6b: {  	_ =	shalt  }
0x6c: {  	_ =	shalt  }
0x6d: {  	_ =	shalt  }
0x6e: {  	_ =	shalt  }
0x6f: {  	_ =	shalt  }
0x70: {  	_ =	shalt  }
0x71: {  	_ =	shalt  }
0x72: {  	_ =	shalt  }
0x73: {  	_ =	shalt  }
0x74: {  	_ =	shalt  }
0x75: {  	_ =	shalt  }
0x76: {  	_ =	shalt  }
0x77: {  	_ =	shalt  }
0x78: {  	_ =	shalt  }
0x79: {  	_ =	shalt  }
0x7a: {  	_ =	shalt  }
0x7b: {  	_ =	shalt  }
0x7c: {  	_ =	shalt  }
0x7d: {  	_ =	shalt  }
0x7e: {  	_ =	shalt  }
0x7f: {  	_ =	shalt  }
0x80: {  	_ =	shalt  }
0x81: {  	_ =	shalt  }
0x82: {  	_ =	shalt  }
0x83: {  	_ =	shalt  }
0x84: {  	_ =	shalt  }
0x85: {  	_ =	shalt  }
0x86: {  	_ =	shalt  }
0x87: {  	_ =	shalt  }
.Lfunc_end0:
.L_simem_size_0:
called_computation_lowered:
.L_overlay_start_0:
0x88: {  	s2 =	sld [smem:$0x3FD9]  }
0x89: {  	s3 =	sld [smem:$0x3FFE];
	_ =	sdelay $0x1  }
0x8a: {  	s1 =	srdreg.scid  }
0x8b: {  	s0 =	sand.u32 $0x1, s1  }
0x8c: {  	s16 =	sshll.u32 s0, $0xA;
	s2 =	sadd.s32 s3, s2  }
0x8d: {  	s2 =	sadd.s32 s2, s16  }
0x8e: {  	[smem:$0x3FBF] =	sst s2  }
0x8f: {  	_ = 	snop  }
0x90: {  	(tm) =	ssettm $0x1  }
0x91: {  	s17 =	sld [smem:$0x3FFB];
	_ =	sdelay $0x3  }
0x92: {  	_ =	strace s17  }
0x93: {  	s2 =	sld [smem:$0x3FFC];
	_ =	sdelay $0x3  }
0x94: {  	_ =	strace s2  }
0x95: {  	s2 =	sld [smem:$0x3FFD];
	_ =	sdelay $0x3  }
0x96: {  	_ =	strace s2  }
0x97: {  	_ =	strace $0x8FFFFFFF  }
0x98: {  	s18 =	sld [smem:$0x3FDB];
	_ =	sdelay $0x1  }
0x99: {  	s19 =	simm.s32 $_scs_section_size  }
0x9a: {  	s4 =	simm.s32 $_size__tile_overlayer_lowered;
	s5 =	simm.s32 $_tile_overlayer_lowered  }
0x9b: {  	s22 =	simm.s32 $0x1BFF;
	s21 =	sshll.u32 s5, $0x1;
	s2 =	sadd.s32 s19, s18  }
0x9c: {  	s6 =	simm.s32 $0x0;
	s20 =	sshll.u32 s4, $0x1;
	s4 =	sadd.s32 s21, s2  }
0x9d: {  	[timem:s6], [sflag:s22] =	dma.local [hbm:s4], s20  }
0x9e: {  	_ =	swait.ge [sflag:s22], s20  }
0x9f: {  	s3 =	ssub.s32 $0x0, s20;
	[sflag:s22] =	ssyncset.done $0x0  }
0xa0: {  	[sflag:s22] =	ssyncadd.s32 s3;
	_ =	sdelay $0x1  }
0xa1: {  	s23 =	simm.s32 $0x1B8B  }
0xa2: {  	_ =	swait.ge [sflag:s23], $0x1  }
0xa3: {  	[sflag:s23] =	ssyncset.done $0x0  }
0xa4: {  	s25 =	simm.s32 $0x1B8E;
	s24 =	sld [smem:$0x3FFE];
	[sflag:s23] =	ssyncadd.s32 $0xFFFFFFFF  }
0xa5: {  	s26 =	simm.s32 $execute0_lowered;
	[smem:$0x3FD2] =	sst s25  }
0xa6: {  	s4 =	sshll.u32 s26, $0x1;
	_ =	strace $0x80000046;
	[dreg:$0x1] =	wrdreg $0xFFFFFFFF  }
0xa7: {  	s28 =	simm.s32 $_size_execute0_lowered;
	s2 =	sadd.s32 s2, s4;
	[dreg:$0x0] =	wrdreg $0x0  }
0xa8: {  	s4 =	sshll.u32 s28, $0x1;
	[dreg:$0x2] =	wrdreg s2  }
0xa9: {  	[dreg:$0x3] =	wrdreg s4  }
0xaa: {  	[dreg:$0x4] =	wrdreg $0xC0  }
0xab: {  	_ =	task [dreg:s6], $0x5FFFF  }
0xac: {  	[dreg:$0x1] =	wrdreg $0xFFFFFFFF  }
0xad: {  	[dreg:$0x0] =	wrdreg $0x60  }
0xae: {  	[dreg:$0x2] =	wrdreg s24  }
0xaf: {  	[dreg:$0x3] =	wrdreg $0x9  }
0xb0: {  	_ =	task.clear_ibuf [dreg:s6], $0x4FFFF;
	_ =	strace $0x90000046  }
0xb1: {  	s29 =	simm.s32 $0x9;
	_ =	strace $0x80000048  }
0xb2: {  	_ =	swait.ge [sflag:s29], $0x1  }
0xb3: {  	[sflag:s29] =	ssyncadd.s32 $0xFFFFFFFF  }
0xb4: {  	_ =	strace $0x90000048  }
0xb5: {  	_ =	sfence  }
0xb6: {  	s30 =	sld [smem:$0x0];
	_ =	sdelay $0x2  }
0xb7: {  	s31 =	sshll.u32 s1, $0xD;
	s1 =	sshrl.u32 s1, $0x2  }
0xb8: {  	s3 =	sand.u32 $0x4000, s31;
	s1 =	sadd.s32 s1, s30  }
0xb9: {  	s0 =	sor.u32 s3, s0;
	s1 =	sshll.u32 s1, $0x11  }
0xba: {  	s0 =	sor.u32 s1, s0  }
0xbb: {  	s0 =	sadd.s32 $0x8F2B, s0  }
0xbc: {  	[sflag:s0] =	ssyncadd.remote.s32 $0x1  }
0xbd: {  	_ =	sfence.sel $0xFFFF  }
0xbe: {  	[dreg:$0x0] =	wrdreg $0xFFFFFFFF;
	(pc) =	sbr.abs _section_cstart, $3  }
0xbf: {  	[dreg:$0x1] =	wrdreg $0xFFFFFFFF  }
0xc0: {  	_ =	task.clear_ibuf [dreg:s6], $0x2FFFF;
	_ =	strace $0x9FFFFFFF  }
0xc1: {  	(tm) =	ssettm $0x7FFFFFFF  }
tec
execute0_lowered:
.L_overlay_start_1:
0x0: {  	(tag) =	ssettag $0x1  }
0x1: {  	s0 =	srdreg.scid  }
0x2: {  	s5 =	rddreg [dreg:$0x0];
	s3 =	sand.u32 $0x1, s0  }
0x3: {  	s2 =	simm.s32 $0x0;
	s0 =	stileid.u32;
	s1 =	sshll.u32 s3, $0x4  }
0x4: {  	s8 =	simm.s32 $0x80;
	s9 =	simm.s32 $0x400;
	s4 =	sor.u32 s0, s1  }
0x5: {  	s10 =	simm.s32 $0x0;
	[smem:$0x7FF] =	sst s2;
	s1 =	sshrl.u32 s4, $0x3  }
0x6: {  	s7 =	sshll.u32 s0, $0x7;
	s3 =	ssub.s32 $0x2, s3;
	s6 =	smul.u32 $0x13C00, s1  }
0x7: {  	s7 =	sand.u32 $0x380, s7;
	s31 =	sshrl.u32 s3, $0x1;
	s4 =	smul.u32 $0x2780, s4  }
0x8: {  	s1 =	rddreg [dreg:$0x1];
	_ =	strace $0x80000047;
	s6 =	sor.u32 s7, s6  }
0x9: {  	s4 =	sadd.s32 s4, s5;
	s7 =	simm.s32 $0x13C00;
	s6 =	sshrl.u32 s6, $0x3  }
0xa: {  	s5 =	sadd.s32 s6, s5;
	s6 =	ssub.s32 s3, s31;
	s3 =	sadd.s32 $0x2600, s4  }
0xb: {  	v0 =	vimm.s32 $0x0;
	s4 =	sadd.s32 $0x51600, s5;
	s5 =	smax.u32 s6, $0x1;
	s6 =	simm.s32 $0x1  }
.LBB2_1:
0xc: {  	[tilespmem:s2], [sflag:$0x1] =	stream.linear.gather [hbm4b:s3+s2], $0x13880, $0x38;
	[tilespmem:$0x16380] =	vst v63  }
0xd: {  	_ =	swait.ge [sflag:s6], $0x13880  }
0xe: {  	[sflag:s6] =	ssyncset.done $0x0  }
0xf: {  	s11 =	simm.s32 $0x0;
	[sflag:s6] =	ssyncadd.s32 $0xFFFEC780  }
.LBB2_2:
0x10: {  	p0 =	sne.s32 s11, $0x9C00  }
.Ltmp0:
0x11: {  	_ = 	snop;
	(pc) =	sbr.rel @p0 .LBB2_2-.Ltmp0, $3  }
0x12: {  	_ =	sdelay $0x1  }
0x13: {  	s12 =	sshra.s32 s11, $0x2  }
0x14: {  	s11 =	sadd.s32 $0x40, s11;
	[tilespmem:s12+$0x13C00] =	vst v0  }
0x15: {  	s12 =	simm.s32 $0x0;
	s11 =	simm.s32 $0x200  }
.LBB2_4:
0x16: {  	p0 =	sne.s32 s11, $0x4E000;
	v1 =	vld [tilespmem:s12+$0x0];
	_ =	sdelay $0x4  }
0x17: {  	(xrf1) =	vunique.msk.u32 $0xffff, v1;
	_ =	sdelay $0xd  }
0x18: {  	_, v2, vm0 =	vpop (xrf1);
	_ =	sdelay $0x1  }
.Ltmp1:
0x19: {  	(pc) =	sbr.rel @p0 .LBB2_4-.Ltmp1, $2  }
0x1a: {  	_ =	sdelay $0x2  }
0x1b: {  	s12 =	sshra.s32 s11, $0x2;
	s11 =	sadd.s32 $0x200, s11;
	[tilespmem:v1+s7+$0x0] =	vst.idx.add.s32.msk vm0, v2  }
0x1c: {  	v1 =	vld [tilespmem:s12+$0x0];
	_ =	sdelay $0x4  }
0x1d: {  	(xrf1) =	vunique.msk.u32 $0xffff, v1;
	_ =	sdelay $0xd  }
0x1e: {  	_, v2, vm0 =	vpop (xrf1);
	_ =	sdelay $0x3  }
0x1f: {  	s10 =	sadd.s32 $0x1, s10  }
0x20: {  	p0 =	sne.s32 s10, s5  }
.Ltmp2:
0x21: {  	[tilespmem:v1+s7+$0x0] =	vst.idx.add.s32.msk vm0, v2;
	(pc) =	sbr.rel @p0 .LBB2_1-.Ltmp2, $4  }
0x22: {  	[hbm4b:s4+s8] =	stream.strided.scatter [tilespmem:s7], [sflag:$0x1], $0x2780, s9, s8, $0x38;
	[tilespmem:$0x16380] =	vst v63  }
0x23: {  	_ =	swait.ge [sflag:s6], $0x2780  }
0x24: {  	[sflag:s6] =	ssyncset.done $0x0  }
0x25: {  	[sflag:s6] =	ssyncadd.s32 $0xFFFFD880  }
0x26: {  	_ =	sfence.sel $0x180000  }
0x27: {  	[bflag:$0x0] =	sbarrier.arrive $0xFFFF  }
0x28: {  	p0 =	sne.s32 s0, $0x0;
	_ =	strace $0x90000047  }
0x29: {  	s0 =	sadd.s32 @!p0 $0x100000, s1;
	[bflag:$0x2] =	sbarrier.arrive $0xFFFF  }
0x2a: {  	[sflag:s0] =	ssyncadd.tile.s32 @!p0 $0x1;
	_ =	shalt  }
.Lfunc_end2:
_tile_overlayer_lowered:
.L_overlay_start_2:
0x2b: {  	(tag) =	ssettag $0x2  }
0x2c: {  	s0 =	rddreg [dreg:$0x0];
	s2 =	stileid.u32  }
0x2d: {  	s1 =	rddreg [dreg:$0x1];
	p0 =	sne.s32 s2, $0x0  }
0x2e: {  	s3 =	rddreg [dreg:$0x2];
	[bflag:$0x3] =	sbarrier.arrive $0xFFFF;
	s2 =	simm.s32 @!p0 $0x1C01  }
0x2f: {  	[timem:s3], [sflag:s2] =	dma.local @!p0 [hbm:s0], s1  }
0x30: {  	s0 =	simm.s32 @!p0 $0x1  }
0x31: {  	_ =	swait.ge @!p0 [sflag:s0], s1  }
0x32: {  	s1 =	ssub.s32 @!p0 $0x0, s1;
	[sflag:s0] =	ssyncset.done @!p0 $0x0  }
0x33: {  	[sflag:s0] =	ssyncadd.s32 @!p0 s1  }
0x34: {  	[bflag:$0x3] =	sbarrier.arrive $0xFFFF  }
0x35: {  	_ =	shalt  }

</sc_bundles>
